<compile_context>
chip_gen: v7x
topology: tpu7x:2x2x1
jax: 0.10.2.dev20260603
libtpu: 0.0.44.dev20260713+nightly
codegen_flags: <defaults>
</compile_context>

<pallas_src>
import functools

import jax
import jax.numpy as jnp
from jax import lax
from jax.experimental import pallas as pl
from jax.experimental.pallas import tpu as pltpu
from jax.experimental.pallas import tpu_sc as plsc

E = 320000
V = 10000
V2 = 10240
D = 128

NC, NS = 2, 16
NW = NC * NS
EC = E // NW
K = 80
NCHUNK = EC // K
VROWS = V2 // NS

BR = 2000
HEAD_BLKS = V // BR
TAIL_BLKS = (E - V) // BR

_MESH = plsc.VectorSubcoreMesh(core_axis_name="c", subcore_axis_name="s")



def _sc_hist(dst, zeros16, ones16):

    @functools.partial(
        pl.kernel,
        out_type=jax.ShapeDtypeStruct((NC, V2, D), jnp.float32),
        mesh=_MESH,
        scratch_types=[
            pltpu.VMEM((K,), jnp.int32),
            pltpu.VMEM((K, D), jnp.float32),
            pltpu.VMEM_SHARED((V2, D), jnp.float32),
        ],
    )
    def hist(dst_hbm, z_hbm, ones_hbm, out_hbm, didx, ones_v, acc_sh):
        c = lax.axis_index("c")
        s = lax.axis_index("s")
        w = c * NS + s
        pltpu.sync_copy(z_hbm.at[pl.ds(s * VROWS, VROWS)],
                        acc_sh.at[pl.ds(s * VROWS, VROWS)])
        pltpu.sync_copy(ones_hbm, ones_v)
        plsc.subcore_barrier()

        def chunk(i, carry):
            base = w * EC + i * K
            pltpu.sync_copy(dst_hbm.at[pl.ds(base, K)], didx)
            pltpu.sync_copy(ones_v, acc_sh.at[didx], add=True)
            return carry

        lax.fori_loop(0, NCHUNK, chunk, 0)
        plsc.subcore_barrier()
        pltpu.sync_copy(acc_sh.at[pl.ds(s * VROWS, VROWS)],
                        out_hbm.at[c, pl.ds(s * VROWS, VROWS)])

    return hist(dst, zeros16, ones16)


def _sc_gather_add(src, dst, A, B):

    @functools.partial(
        pl.kernel,
        out_type=jax.ShapeDtypeStruct((E, D), jnp.float32),
        mesh=_MESH,
        scratch_types=[
            pltpu.VMEM((K,), jnp.int32),
            pltpu.VMEM((K,), jnp.int32),
            pltpu.VMEM((K, D), jnp.float32),
            pltpu.VMEM((K, D), jnp.float32),
            pltpu.SemaphoreType.DMA,
            pltpu.SemaphoreType.DMA,
        ],
    )
    def gather(src_hbm, dst_hbm, a_hbm, b_hbm, out_hbm,
               sidx, didx, bufa, bufb, sema, semb):
        c = lax.axis_index("c")
        s = lax.axis_index("s")
        w = c * NS + s

        def chunk(i, carry):
            base = w * EC + i * K
            pltpu.sync_copy(src_hbm.at[pl.ds(base, K)], sidx)
            pltpu.sync_copy(dst_hbm.at[pl.ds(base, K)], didx)
            cpa = pltpu.async_copy(a_hbm.at[sidx], bufa, sema)
            cpb = pltpu.async_copy(b_hbm.at[didx], bufb, semb)
            cpa.wait()
            cpb.wait()

            def row(r, rc):
                for j in range(D // 16):
                    sl = pl.ds(j * 16, 16)
                    bufa[r, sl] = bufa[r, sl] + bufb[r, sl]
                return rc

            lax.fori_loop(0, K, row, 0)
            pltpu.sync_copy(bufa, out_hbm.at[pl.ds(base, K)])
            return carry

        lax.fori_loop(0, NCHUNK, chunk, 0)

    return gather(src, dst, A, B)


def _sc_scatter(src, dst, table, zerosVD):

    @functools.partial(
        pl.kernel,
        out_type=jax.ShapeDtypeStruct((NC, V2, D), jnp.float32),
        mesh=_MESH,
        scratch_types=[
            pltpu.VMEM((K,), jnp.int32),
            pltpu.VMEM((K,), jnp.int32),
            pltpu.VMEM((K, D), jnp.float32),
            pltpu.VMEM_SHARED((V2, D), jnp.float32),
            pltpu.SemaphoreType.DMA,
        ],
    )
    def scat(src_hbm, dst_hbm, t_hbm, z_hbm, out_hbm,
             sidx, didx, buf, acc_sh, sem):
        c = lax.axis_index("c")
        s = lax.axis_index("s")
        w = c * NS + s
        pltpu.sync_copy(z_hbm.at[pl.ds(s * VROWS, VROWS)],
                        acc_sh.at[pl.ds(s * VROWS, VROWS)])
        plsc.subcore_barrier()

        def chunk(i, carry):
            base = w * EC + i * K
            pltpu.sync_copy(src_hbm.at[pl.ds(base, K)], sidx)
            pltpu.sync_copy(dst_hbm.at[pl.ds(base, K)], didx)
            pltpu.async_copy(t_hbm.at[sidx], buf, sem).wait()
            pltpu.sync_copy(buf, acc_sh.at[didx], add=True)
            return carry

        lax.fori_loop(0, NCHUNK, chunk, 0)
        plsc.subcore_barrier()
        pltpu.sync_copy(acc_sh.at[pl.ds(s * VROWS, VROWS)],
                        out_hbm.at[c, pl.ds(s * VROWS, VROWS)])

    return scat(src, dst, table, zerosVD)



def _tc_lin1(x, W1):
    def body(x_ref, w_ref, a_ref, b_ref):
        xb = x_ref[...].astype(jnp.bfloat16)
        wb = w_ref[...].astype(jnp.bfloat16)
        a_ref[...] = jnp.dot(xb, wb[:D, :],
                             preferred_element_type=jnp.float32)
        b_ref[...] = jnp.dot(xb, wb[D:, :],
                             preferred_element_type=jnp.float32)

    nb = V // BR
    return pl.pallas_call(
        body,
        grid=(nb,),
        in_specs=[pl.BlockSpec((BR, D), lambda i: (i, 0)),
                  pl.BlockSpec((2 * D, D), lambda i: (0, 0))],
        out_specs=[pl.BlockSpec((BR, D), lambda i: (i, 0)),
                   pl.BlockSpec((BR, D), lambda i: (i, 0))],
        out_shape=[jax.ShapeDtypeStruct((V, D), jnp.float32),
                   jax.ShapeDtypeStruct((V, D), jnp.float32)],
    )(x, W1)


def _tc_prep(cnt16):
    def body(c_ref, d_ref, q_ref):
        cnt = c_ref[0, :, 0:1] + c_ref[1, :, 0:1]
        deg = cnt + 1.0
        q_ref[...] = 1.0 / deg
        d_ref[...] = lax.rsqrt(deg)

    return pl.pallas_call(
        body,
        grid=(HEAD_BLKS,),
        in_specs=[pl.BlockSpec((NC, BR, D), lambda i: (0, i, 0))],
        out_specs=[pl.BlockSpec((BR, 1), lambda i: (i, 0)),
                   pl.BlockSpec((BR, 1), lambda i: (i, 0))],
        out_shape=[jax.ShapeDtypeStruct((V, 1), jnp.float32),
                   jax.ShapeDtypeStruct((V, 1), jnp.float32)],
    )(cnt16)


def _tc_scale_head(hlin, d_col):
    def body(h_ref, d_ref, o_ref):
        o_ref[...] = h_ref[...] * d_ref[...]

    return pl.pallas_call(
        body,
        grid=(HEAD_BLKS,),
        in_specs=[pl.BlockSpec((BR, D), lambda i: (i, 0)),
                  pl.BlockSpec((BR, 1), lambda i: (i, 0))],
        out_specs=pl.BlockSpec((BR, D), lambda i: (i, 0)),
        out_shape=jax.ShapeDtypeStruct((V, D), jnp.float32),
    )(hlin, d_col)


def _tc_head_affine(hlin, S1p, d_col, q_col, b1r):
    def body(h_ref, s_ref, d_ref, q_ref, b_ref, o_ref, sum_ref, ss_ref):
        i = pl.program_id(0)
        h1 = (h_ref[...] * q_ref[...]
              + d_ref[...] * (s_ref[0] + s_ref[1])
              + b_ref[...])
        o_ref[...] = h1

        @pl.when(i == 0)
        def _():
            sum_ref[...] = jnp.zeros_like(sum_ref)
            ss_ref[...] = jnp.zeros_like(ss_ref)

        sum_ref[...] += jnp.sum(h1, axis=0, keepdims=True)
        ss_ref[...] += jnp.sum(h1 * h1, axis=0, keepdims=True)

    return pl.pallas_call(
        body,
        grid=(HEAD_BLKS,),
        in_specs=[pl.BlockSpec((BR, D), lambda i: (i, 0)),
                  pl.BlockSpec((NC, BR, D), lambda i: (0, i, 0)),
                  pl.BlockSpec((BR, 1), lambda i: (i, 0)),
                  pl.BlockSpec((BR, 1), lambda i: (i, 0)),
                  pl.BlockSpec((1, D), lambda i: (0, 0))],
        out_specs=[pl.BlockSpec((BR, D), lambda i: (i, 0)),
                   pl.BlockSpec((1, D), lambda i: (0, 0)),
                   pl.BlockSpec((1, D), lambda i: (0, 0))],
        out_shape=[jax.ShapeDtypeStruct((V, D), jnp.float32),
                   jax.ShapeDtypeStruct((1, D), jnp.float32),
                   jax.ShapeDtypeStruct((1, D), jnp.float32)],
    )(hlin, S1p, d_col, q_col, b1r)


def _tc_tail_stats(hlin, b1r):
    def body(h_ref, b_ref, sum_ref, ss_ref):
        i = pl.program_id(0)
        t = h_ref[...] + b_ref[...]

        @pl.when(i == 0)
        def _():
            sum_ref[...] = jnp.zeros_like(sum_ref)
            ss_ref[...] = jnp.zeros_like(ss_ref)

        sum_ref[...] += jnp.sum(t, axis=0, keepdims=True)
        ss_ref[...] += jnp.sum(t * t, axis=0, keepdims=True)

    return pl.pallas_call(
        body,
        grid=(TAIL_BLKS,),
        in_specs=[pl.BlockSpec((BR, D), lambda i: (i + HEAD_BLKS, 0)),
                  pl.BlockSpec((1, D), lambda i: (0, 0))],
        out_specs=[pl.BlockSpec((1, D), lambda i: (0, 0)),
                   pl.BlockSpec((1, D), lambda i: (0, 0))],
        out_shape=[jax.ShapeDtypeStruct((1, D), jnp.float32),
                   jax.ShapeDtypeStruct((1, D), jnp.float32)],
    )(hlin, b1r)


def _tc_bn(sum_h, ss_h, sum_t, ss_t):
    def body(sh, qh, st, qt, mean_ref, sq_ref):
        mean = (sh[...] + st[...]) * (1.0 / E)
        ex2 = (qh[...] + qt[...]) * (1.0 / E)
        var = ex2 - mean * mean
        mean_ref[...] = mean
        sq_ref[...] = jnp.sqrt(var + 1e-5)

    return pl.pallas_call(
        body,
        out_shape=[jax.ShapeDtypeStruct((1, D), jnp.float32),
                   jax.ShapeDtypeStruct((1, D), jnp.float32)],
    )(sum_h, ss_h, sum_t, ss_t)


def _tc_head_mm(h1_head, mean, sq, gammar, betar, W2, d_col):
    def body(h_ref, m_ref, s_ref, g2_ref, be_ref, w_ref, d_ref, g_ref, t_ref):
        hn = (h_ref[...] - m_ref[...]) / s_ref[...] * g2_ref[...] + be_ref[...]
        r = jnp.maximum(hn, 0.0)
        g = jnp.dot(r.astype(jnp.bfloat16), w_ref[...].astype(jnp.bfloat16),
                    preferred_element_type=jnp.float32)
        g_ref[...] = g
        t_ref[...] = g * d_ref[...]

    return pl.pallas_call(
        body,
        grid=(HEAD_BLKS,),
        in_specs=[pl.BlockSpec((BR, D), lambda i: (i, 0)),
                  pl.BlockSpec((1, D), lambda i: (0, 0)),
                  pl.BlockSpec((1, D), lambda i: (0, 0)),
                  pl.BlockSpec((1, D), lambda i: (0, 0)),
                  pl.BlockSpec((1, D), lambda i: (0, 0)),
                  pl.BlockSpec((D, D), lambda i: (0, 0)),
                  pl.BlockSpec((BR, 1), lambda i: (i, 0))],
        out_specs=[pl.BlockSpec((BR, D), lambda i: (i, 0)),
                   pl.BlockSpec((BR, D), lambda i: (i, 0))],
        out_shape=[jax.ShapeDtypeStruct((V, D), jnp.float32),
                   jax.ShapeDtypeStruct((V, D), jnp.float32)],
    )(h1_head, mean, sq, gammar, betar, W2, d_col)


def _tc_tail_mm(hlin, b1r, mean, sq, gammar, betar, W2, b2r, Wl, blr, cut):
    def body(h_ref, b_ref, m_ref, s2_ref, g2_ref, be_ref, w2_ref, b2_ref,
             wl_ref, bl_ref, cut_ref, s_ref, rd_ref):
        h1 = h_ref[...] + b_ref[...]
        hn = (h1 - m_ref[...]) / s2_ref[...] * g2_ref[...] + be_ref[...]
        r = jnp.maximum(hn, 0.0)
        q = jnp.dot(r.astype(jnp.bfloat16), w2_ref[...].astype(jnp.bfloat16),
                    preferred_element_type=jnp.float32)
        h2 = q + b2_ref[...]
        h3 = jnp.dot(h2.astype(jnp.bfloat16),
                     wl_ref[...].astype(jnp.bfloat16),
                     preferred_element_type=jnp.float32) + bl_ref[...]
        sv = jax.nn.sigmoid(h3)
        s_ref[...] = sv
        rd_ref[...] = jnp.where(sv < cut_ref[0, 0], 0.0, 1.0)

    return pl.pallas_call(
        body,
        grid=(TAIL_BLKS,),
        in_specs=[pl.BlockSpec((BR, D), lambda i: (i + HEAD_BLKS, 0)),
                  pl.BlockSpec((1, D), lambda i: (0, 0)),
                  pl.BlockSpec((1, D), lambda i: (0, 0)),
                  pl.BlockSpec((1, D), lambda i: (0, 0)),
                  pl.BlockSpec((1, D), lambda i: (0, 0)),
                  pl.BlockSpec((1, D), lambda i: (0, 0)),
                  pl.BlockSpec((D, D), lambda i: (0, 0)),
                  pl.BlockSpec((1, D), lambda i: (0, 0)),
                  pl.BlockSpec((D, D), lambda i: (0, 0)),
                  pl.BlockSpec((1, D), lambda i: (0, 0)),
                  pl.BlockSpec((1, 1), lambda i: (0, 0))],
        out_specs=[pl.BlockSpec((BR, D), lambda i: (i + HEAD_BLKS, 0)),
                   pl.BlockSpec((BR, D), lambda i: (i + HEAD_BLKS, 0))],
        out_shape=[jax.ShapeDtypeStruct((E, D), jnp.float32),
                   jax.ShapeDtypeStruct((E, D), jnp.float32)],
    )(hlin, b1r, mean, sq, gammar, betar, W2, b2r, Wl, blr, cut)


def _tc_head_final(g_head, S2p, d_col, q_col, b2r, Wl, blr, cut,
                   s_full, rd_full):
    def body(g_ref, s2_ref, d_ref, q_ref, b2_ref, wl_ref, bl_ref, cut_ref,
             sin_ref, rin_ref, s_ref, rd_ref):
        h2 = (g_ref[...] * q_ref[...]
              + d_ref[...] * (s2_ref[0] + s2_ref[1])
              + b2_ref[...])
        h3 = jnp.dot(h2.astype(jnp.bfloat16),
                     wl_ref[...].astype(jnp.bfloat16),
                     preferred_element_type=jnp.float32) + bl_ref[...]
        sv = jax.nn.sigmoid(h3)
        s_ref[...] = sv
        rd_ref[...] = jnp.where(sv < cut_ref[0, 0], 0.0, 1.0)

    return pl.pallas_call(
        body,
        grid=(HEAD_BLKS,),
        in_specs=[pl.BlockSpec((BR, D), lambda i: (i, 0)),
                  pl.BlockSpec((NC, BR, D), lambda i: (0, i, 0)),
                  pl.BlockSpec((BR, 1), lambda i: (i, 0)),
                  pl.BlockSpec((BR, 1), lambda i: (i, 0)),
                  pl.BlockSpec((1, D), lambda i: (0, 0)),
                  pl.BlockSpec((D, D), lambda i: (0, 0)),
                  pl.BlockSpec((1, D), lambda i: (0, 0)),
                  pl.BlockSpec((1, 1), lambda i: (0, 0)),
                  pl.BlockSpec((BR, D), lambda i: (i, 0)),
                  pl.BlockSpec((BR, D), lambda i: (i, 0))],
        out_specs=[pl.BlockSpec((BR, D), lambda i: (i, 0)),
                   pl.BlockSpec((BR, D), lambda i: (i, 0))],
        out_shape=[jax.ShapeDtypeStruct((E, D), jnp.float32),
                   jax.ShapeDtypeStruct((E, D), jnp.float32)],
        input_output_aliases={8: 0, 9: 1},
    )(g_head, S2p, d_col, q_col, b2r, Wl, blr, cut, s_full, rd_full)



def kernel(x, edge_index, cutoff, W1, b1, gamma, beta, W2, b2, Wl, bl):
    src = edge_index[0]
    dst = edge_index[1]
    b1r = b1.reshape(1, D)
    b2r = b2.reshape(1, D)
    blr = bl.reshape(1, D)
    gammar = gamma.reshape(1, D)
    betar = beta.reshape(1, D)
    cut = cutoff.reshape(1, 1)

    onesKD = jnp.ones((K, D), jnp.float32)
    zerosVD = jnp.zeros((V2, D), jnp.float32)

    A, B = _tc_lin1(x, W1)

    cnt16 = _sc_hist(dst, zerosVD, onesKD)
    d_col, q_col = _tc_prep(cnt16)

    hlin = _sc_gather_add(src, dst, A, B)

    T1s = _tc_scale_head(hlin, d_col)
    S1p = _sc_scatter(src, dst, T1s, zerosVD)

    h1_head, sum_h, ss_h = _tc_head_affine(hlin, S1p, d_col, q_col, b1r)
    sum_t, ss_t = _tc_tail_stats(hlin, b1r)
    mean, sq = _tc_bn(sum_h, ss_h, sum_t, ss_t)

    g_head, T2s = _tc_head_mm(h1_head, mean, sq, gammar, betar, W2, d_col)
    s_full, rd_full = _tc_tail_mm(hlin, b1r, mean, sq, gammar, betar, W2,
                                  b2r, Wl, blr, cut)

    S2p = _sc_scatter(src, dst, T2s, zerosVD)
    s_out, rd_out = _tc_head_final(g_head, S2p, d_col, q_col, b2r, Wl, blr,
                                   cut, s_full, rd_full)

    return s_out, lax.stop_gradient(rd_out)

# --- scband reference (transcript-rebuilt; emitter-appended) ---
"""Pipeline reference for scband-net-68599217651837 (READ-ONLY COPY).

The authoritative reference and input builder live on the scoring server;
editing this copy changes nothing except your own understanding.
"""

import jax, jax.numpy as jnp
import numpy as np

N_NODES = 10000
N_EDGES = 320000
D_IN = 128
D_HID = 128
D_OUT = 128


def gcn_conv(x, edge_index, W, b):
    # PyG GCNConv: lin(x) first, then symmetric-normalized aggregation with self-loops.
    # NOTE: num_nodes is inferred from x.shape[0] (here = n_edges, matching the
    # original module's quirk of feeding edge_features [E, 2*d] into GCNConv).
    n = x.shape[0]
    loop = jnp.arange(n, dtype=edge_index.dtype)
    src = jnp.concatenate([edge_index[0], loop])
    dst = jnp.concatenate([edge_index[1], loop])
    h = x @ W
    deg = jnp.zeros((n,), x.dtype).at[dst].add(1.0)
    deg_inv_sqrt = jnp.where(deg > 0, 1.0 / jnp.sqrt(deg), 0.0)
    norm = deg_inv_sqrt[src] * deg_inv_sqrt[dst]
    msg = h[src] * norm[:, None]
    out = jnp.zeros((n, h.shape[1]), x.dtype).at[dst].add(msg)
    return out + b


def setup_inputs(seed: int = 0):
    key = jax.random.key(seed)
    ks = jax.random.split(key, 12)
    x = jax.random.normal(ks[0], (N_NODES, D_IN), dtype=jnp.float32)
    # int32 used to avoid requiring jax x64 mode; values in [0, N_NODES)
    edge_index = jax.random.randint(ks[1], (2, N_EDGES), 0, N_NODES, dtype=jnp.int32)
    cutoff = jax.random.uniform(ks[2], (), dtype=jnp.float32)
    W1 = jax.random.normal(ks[3], (2 * D_IN, D_HID), jnp.float32) * (1.0 / np.sqrt(2 * D_IN))
    b1 = jnp.zeros((D_HID,), jnp.float32)
    gamma = jnp.ones((D_HID,), jnp.float32)
    beta = jnp.zeros((D_HID,), jnp.float32)
    W2 = jax.random.normal(ks[4], (D_HID, D_OUT), jnp.float32) * (1.0 / np.sqrt(D_HID))
    b2 = jnp.zeros((D_OUT,), jnp.float32)
    Wl = jax.random.normal(ks[5], (D_OUT, D_OUT), jnp.float32) * (1.0 / np.sqrt(D_OUT))
    bl = jnp.zeros((D_OUT,), jnp.float32)
    return {"x": x, "edge_index": edge_index, "cutoff": cutoff,
            "W1": W1, "b1": b1, "gamma": gamma, "beta": beta,
            "W2": W2, "b2": b2, "Wl": Wl, "bl": bl}


def reference(x, edge_index, cutoff, W1, b1, gamma, beta, W2, b2, Wl, bl):
    # edge feature construction: two gathers over the node features
    ef = jnp.concatenate([x[edge_index[0]], x[edge_index[1]]], axis=1)  # [E, 2*D_IN]
    h = gcn_conv(ef, edge_index, W1, b1)                                 # [E, D_HID]
    # BatchNorm1d in training mode: batch statistics, biased variance, eps=1e-5
    mean = h.mean(axis=0)
    var = ((h - mean) ** 2).mean(axis=0)
    h = (h - mean) / jnp.sqrt(var + 1e-5) * gamma + beta
    h = jax.nn.relu(h)
    h = gcn_conv(h, edge_index, W2, b2)                                  # [E, D_OUT]
    h = h @ Wl + bl
    s = jax.nn.sigmoid(h)
    rounded = jnp.where(s < cutoff, jnp.zeros_like(s), jnp.ones_like(s))
    return jnp.squeeze(s), jax.lax.stop_gradient(jnp.squeeze(rounded))

if __name__ == "__main__":
    import jax
    _d = setup_inputs()
    print(jax.jit(kernel)(*tuple(_d.values())))

</pallas_src>

<mosaic_0001>
#map = affine_map<(d0, d1) -> (0)>
#map1 = affine_map<(d0, d1) -> (0, 0)>
#map2 = affine_map<(d0, d1) -> (0, 0, 0)>
module attributes {stable_mosaic.version = 14 : i64} {
  func.func @hist(%arg0: i32, %arg1: i32, %arg2: memref<320000xi32, #tpu.memory_space<hbm>>, %arg3: memref<10240x128xf32, #tpu.memory_space<hbm>>, %arg4: memref<80x128xf32, #tpu.memory_space<hbm>>, %arg5: memref<2x10240x128xf32, #tpu.memory_space<hbm>>, %arg6: memref<80xi32, #tpu.memory_space<vmem>>, %arg7: memref<80x128xf32, #tpu.memory_space<vmem>>, %arg8: memref<10240x128xf32, #tpu.memory_space<vmem_shared>>) attributes {dimension_semantics = [#tpu.dimension_semantics<core_parallel>, #tpu.dimension_semantics<subcore_parallel>], iteration_bounds = array<i64: 2, 16>, scalar_prefetch = 0 : i64, scratch_operands = 3 : i64, tpu.core_type = #tpu.core_type<sc_vector_subcore>, window_params = [{transform_indices = #map}, {transform_indices = #map1}, {transform_indices = #map1}, {transform_indices = #map2}]} {
    %mul3A = arith.constant 16 : i32
    %mul3A_0 = arith.muli %arg0, %mul3A : i32
    %add3A = arith.addi %mul3A_0, %arg1 : i32
    %mul3A_1 = arith.constant 640 : i32
    %mul3A_2 = arith.muli %arg1, %mul3A_1 : i32
    %mul3A_3 = arith.constant 640 : i32
    %mul3A_4 = arith.muli %arg1, %mul3A_3 : i32
    "tpu.region"() ({
      %run_scoped3A = tpu.sem_alloc : memref<!tpu.dma_semaphore, #tpu.memory_space<semaphore_mem>>
      %dma_start3A = arith.constant 0 : i32
      %dma_start3A_15 = tpu.memref_slice %arg8[%mul3A_4, %dma_start3A] : memref<10240x128xf32, #tpu.memory_space<vmem_shared>> -> memref<640x128xf32, #tpu.memory_space<vmem_shared>>
      %dma_start3A_16 = arith.constant 0 : i32
      %dma_start3A_17 = tpu.memref_slice %arg3[%mul3A_2, %dma_start3A_16] : memref<10240x128xf32, #tpu.memory_space<hbm>> -> memref<640x128xf32, #tpu.memory_space<hbm>>
      tpu.enqueue_dma source(%dma_start3A_17 : memref<640x128xf32, #tpu.memory_space<hbm>>) target(%dma_start3A_15 : memref<640x128xf32, #tpu.memory_space<vmem_shared>>) target_semaphore(%run_scoped3A : memref<!tpu.dma_semaphore, #tpu.memory_space<semaphore_mem>>)
      %dma_wait3A = arith.constant 0 : i32
      %dma_wait3A_18 = tpu.memref_slice %arg8[%mul3A_4, %dma_wait3A] : memref<10240x128xf32, #tpu.memory_space<vmem_shared>> -> memref<640x128xf32, #tpu.memory_space<vmem_shared>>
      %dma_wait3A_19 = arith.constant 0 : i32
      %dma_wait3A_20 = tpu.memref_slice %arg3[%mul3A_2, %dma_wait3A_19] : memref<10240x128xf32, #tpu.memory_space<hbm>> -> memref<640x128xf32, #tpu.memory_space<hbm>>
      tpu.wait_dma2 semaphore(%run_scoped3A : memref<!tpu.dma_semaphore, #tpu.memory_space<semaphore_mem>>) src(%dma_wait3A_20 : memref<640x128xf32, #tpu.memory_space<hbm>>) dst(%dma_wait3A_18 : memref<640x128xf32, #tpu.memory_space<vmem_shared>>)
      tpu.yield
    }) : () -> ()
    "tpu.region"() ({
      %run_scoped3A = tpu.sem_alloc : memref<!tpu.dma_semaphore, #tpu.memory_space<semaphore_mem>>
      tpu.enqueue_dma source(%arg4 : memref<80x128xf32, #tpu.memory_space<hbm>>) target(%arg7 : memref<80x128xf32, #tpu.memory_space<vmem>>) target_semaphore(%run_scoped3A : memref<!tpu.dma_semaphore, #tpu.memory_space<semaphore_mem>>)
      tpu.wait_dma2 semaphore(%run_scoped3A : memref<!tpu.dma_semaphore, #tpu.memory_space<semaphore_mem>>) src(%arg4 : memref<80x128xf32, #tpu.memory_space<hbm>>) dst(%arg7 : memref<80x128xf32, #tpu.memory_space<vmem>>)
      tpu.yield
    }) : () -> ()
    %barrier3A = arith.constant 0 : index
    tpu.barrier barrier_id(%barrier3A)
    %scan3A = arith.constant 0 : i32
    %scan3A_5 = arith.constant 0 : i32
    %scan3A_6 = arith.constant 125 : i32
    %scan3A_7 = arith.addi %scan3A_5, %scan3A_6 : i32
    %scan3A_8 = arith.constant 1 : i32
    scf.for %scan3A_15 = %scan3A_5 to %scan3A_7 step %scan3A_8  : i32 {
      %mul3A_16 = arith.constant 10000 : i32
      %mul3A_17 = arith.muli %add3A, %mul3A_16 : i32
      %mul3A_18 = arith.constant 80 : i32
      %mul3A_19 = arith.muli %scan3A_15, %mul3A_18 : i32
      %add3A_20 = arith.addi %mul3A_17, %mul3A_19 : i32
      "tpu.region"() ({
        %run_scoped3A = tpu.sem_alloc : memref<!tpu.dma_semaphore, #tpu.memory_space<semaphore_mem>>
        %dma_start3A = tpu.memref_slice %arg2[%add3A_20] : memref<320000xi32, #tpu.memory_space<hbm>> -> memref<80xi32, #tpu.memory_space<hbm>>
        %dma_start3A_21 = tpu.memref_slice %arg2[%add3A_20] : memref<320000xi32, #tpu.memory_space<hbm>> -> memref<80xi32, #tpu.memory_space<hbm>>
        tpu.enqueue_dma source(%dma_start3A_21 : memref<80xi32, #tpu.memory_space<hbm>>) target(%arg6 : memref<80xi32, #tpu.memory_space<vmem>>) target_semaphore(%run_scoped3A : memref<!tpu.dma_semaphore, #tpu.memory_space<semaphore_mem>>)
        %dma_wait3A = tpu.memref_slice %arg2[%add3A_20] : memref<320000xi32, #tpu.memory_space<hbm>> -> memref<80xi32, #tpu.memory_space<hbm>>
        %dma_wait3A_22 = tpu.memref_slice %arg2[%add3A_20] : memref<320000xi32, #tpu.memory_space<hbm>> -> memref<80xi32, #tpu.memory_space<hbm>>
        tpu.wait_dma2 semaphore(%run_scoped3A : memref<!tpu.dma_semaphore, #tpu.memory_space<semaphore_mem>>) src(%dma_wait3A_22 : memref<80xi32, #tpu.memory_space<hbm>>) dst(%arg6 : memref<80xi32, #tpu.memory_space<vmem>>)
        tpu.yield
      }) : () -> ()
      "tpu.region"() ({
        %run_scoped3A = tpu.sem_alloc : memref<!tpu.dma_semaphore, #tpu.memory_space<semaphore_mem>>
        %dma_start3A = arith.constant 0 : i32
        %dma_start3A_21 = arith.constant 0 : i32
        %dma_start3A_22 = tpu.memref_slice %arg8[%dma_start3A, %dma_start3A_21] : memref<10240x128xf32, #tpu.memory_space<vmem_shared>> -> memref<10240x128xf32, #tpu.memory_space<vmem_shared>>
        tpu.enqueue_indirect_dma source(%arg7 : memref<80x128xf32, #tpu.memory_space<vmem>>) target(%dma_start3A_22 : memref<10240x128xf32, #tpu.memory_space<vmem_shared>>) offsets(%arg6 : memref<80xi32, #tpu.memory_space<vmem>>) semaphore(%run_scoped3A : memref<!tpu.dma_semaphore, #tpu.memory_space<semaphore_mem>>) {add = true}
        %dma_wait3A = arith.constant 0 : i32
        %dma_wait3A_23 = arith.constant 0 : i32
        %dma_wait3A_24 = tpu.memref_slice %arg8[%dma_wait3A, %dma_wait3A_23] : memref<10240x128xf32, #tpu.memory_space<vmem_shared>> -> memref<10240x128xf32, #tpu.memory_space<vmem_shared>>
        tpu.wait_indirect_dma semaphore(%run_scoped3A : memref<!tpu.dma_semaphore, #tpu.memory_space<semaphore_mem>>) src(%arg7 : memref<80x128xf32, #tpu.memory_space<vmem>>) dst(%dma_wait3A_24 : memref<10240x128xf32, #tpu.memory_space<vmem_shared>>)
        tpu.yield
      }) : () -> ()
    }
    %scan3A_9 = arith.constant 125 : i32
    %barrier3A_10 = arith.constant 0 : index
    tpu.barrier barrier_id(%barrier3A_10)
    %mul3A_11 = arith.constant 640 : i32
    %mul3A_12 = arith.muli %arg1, %mul3A_11 : i32
    %mul3A_13 = arith.constant 640 : i32
    %mul3A_14 = arith.muli %arg1, %mul3A_13 : i32
    "tpu.region"() ({
      %run_scoped3A = tpu.sem_alloc : memref<!tpu.dma_semaphore, #tpu.memory_space<semaphore_mem>>
      %dma_start3A = arith.constant 0 : i32
      %dma_start3A_15 = tpu.memref_slice %arg5[%arg0, %mul3A_14, %dma_start3A] : memref<2x10240x128xf32, #tpu.memory_space<hbm>> -> memref<1x640x128xf32, #tpu.memory_space<hbm>>
      %dma_start3A_16 = tpu.memref_squeeze %dma_start3A_15 : memref<1x640x128xf32, #tpu.memory_space<hbm>> -> memref<640x128xf32, #tpu.memory_space<hbm>>
      %dma_start3A_17 = arith.constant 0 : i32
      %dma_start3A_18 = tpu.memref_slice %arg8[%mul3A_12, %dma_start3A_17] : memref<10240x128xf32, #tpu.memory_space<vmem_shared>> -> memref<640x128xf32, #tpu.memory_space<vmem_shared>>
      tpu.enqueue_dma source(%dma_start3A_18 : memref<640x128xf32, #tpu.memory_space<vmem_shared>>) target(%dma_start3A_16 : memref<640x128xf32, #tpu.memory_space<hbm>>) target_semaphore(%run_scoped3A : memref<!tpu.dma_semaphore, #tpu.memory_space<semaphore_mem>>)
      %dma_wait3A = arith.constant 0 : i32
      %dma_wait3A_19 = tpu.memref_slice %arg5[%arg0, %mul3A_14, %dma_wait3A] : memref<2x10240x128xf32, #tpu.memory_space<hbm>> -> memref<1x640x128xf32, #tpu.memory_space<hbm>>
      %dma_wait3A_20 = tpu.memref_squeeze %dma_wait3A_19 : memref<1x640x128xf32, #tpu.memory_space<hbm>> -> memref<640x128xf32, #tpu.memory_space<hbm>>
      %dma_wait3A_21 = arith.constant 0 : i32
      %dma_wait3A_22 = tpu.memref_slice %arg8[%mul3A_12, %dma_wait3A_21] : memref<10240x128xf32, #tpu.memory_space<vmem_shared>> -> memref<640x128xf32, #tpu.memory_space<vmem_shared>>
      tpu.wait_dma2 semaphore(%run_scoped3A : memref<!tpu.dma_semaphore, #tpu.memory_space<semaphore_mem>>) src(%dma_wait3A_22 : memref<640x128xf32, #tpu.memory_space<vmem_shared>>) dst(%dma_wait3A_20 : memref<640x128xf32, #tpu.memory_space<hbm>>)
      tpu.yield
    }) : () -> ()
    return
  }
}

#map = affine_map<(d0, d1) -> (0)>
#map1 = affine_map<(d0, d1) -> (0, 0)>
#map2 = affine_map<(d0, d1) -> (0, 0, 0)>
module attributes {stable_mosaic.version = 14 : i64} {
  func.func @scat(%arg0: i32, %arg1: i32, %arg2: memref<320000xi32, #tpu.memory_space<hbm>>, %arg3: memref<320000xi32, #tpu.memory_space<hbm>>, %arg4: memref<10000x128xf32, #tpu.memory_space<hbm>>, %arg5: memref<10240x128xf32, #tpu.memory_space<hbm>>, %arg6: memref<2x10240x128xf32, #tpu.memory_space<hbm>>, %arg7: memref<80xi32, #tpu.memory_space<vmem>>, %arg8: memref<80xi32, #tpu.memory_space<vmem>>, %arg9: memref<80x128xf32, #tpu.memory_space<vmem>>, %arg10: memref<10240x128xf32, #tpu.memory_space<vmem_shared>>, %arg11: memref<!tpu.dma_semaphore, #tpu.memory_space<semaphore_mem>>) attributes {dimension_semantics = [#tpu.dimension_semantics<core_parallel>, #tpu.dimension_semantics<subcore_parallel>], iteration_bounds = array<i64: 2, 16>, scalar_prefetch = 0 : i64, scratch_operands = 5 : i64, tpu.core_type = #tpu.core_type<sc_vector_subcore>, window_params = [{transform_indices = #map}, {transform_indices = #map}, {transform_indices = #map1}, {transform_indices = #map1}, {transform_indices = #map2}]} {
    %mul3A = arith.constant 16 : i32
    %mul3A_0 = arith.muli %arg0, %mul3A : i32
    %add3A = arith.addi %mul3A_0, %arg1 : i32
    %mul3A_1 = arith.constant 640 : i32
    %mul3A_2 = arith.muli %arg1, %mul3A_1 : i32
    %mul3A_3 = arith.constant 640 : i32
    %mul3A_4 = arith.muli %arg1, %mul3A_3 : i32
    "tpu.region"() ({
      %run_scoped3A = tpu.sem_alloc : memref<!tpu.dma_semaphore, #tpu.memory_space<semaphore_mem>>
      %dma_start3A = arith.constant 0 : i32
      %dma_start3A_15 = tpu.memref_slice %arg10[%mul3A_4, %dma_start3A] : memref<10240x128xf32, #tpu.memory_space<vmem_shared>> -> memref<640x128xf32, #tpu.memory_space<vmem_shared>>
      %dma_start3A_16 = arith.constant 0 : i32
      %dma_start3A_17 = tpu.memref_slice %arg5[%mul3A_2, %dma_start3A_16] : memref<10240x128xf32, #tpu.memory_space<hbm>> -> memref<640x128xf32, #tpu.memory_space<hbm>>
      tpu.enqueue_dma source(%dma_start3A_17 : memref<640x128xf32, #tpu.memory_space<hbm>>) target(%dma_start3A_15 : memref<640x128xf32, #tpu.memory_space<vmem_shared>>) target_semaphore(%run_scoped3A : memref<!tpu.dma_semaphore, #tpu.memory_space<semaphore_mem>>)
      %dma_wait3A = arith.constant 0 : i32
      %dma_wait3A_18 = tpu.memref_slice %arg10[%mul3A_4, %dma_wait3A] : memref<10240x128xf32, #tpu.memory_space<vmem_shared>> -> memref<640x128xf32, #tpu.memory_space<vmem_shared>>
      %dma_wait3A_19 = arith.constant 0 : i32
      %dma_wait3A_20 = tpu.memref_slice %arg5[%mul3A_2, %dma_wait3A_19] : memref<10240x128xf32, #tpu.memory_space<hbm>> -> memref<640x128xf32, #tpu.memory_space<hbm>>
      tpu.wait_dma2 semaphore(%run_scoped3A : memref<!tpu.dma_semaphore, #tpu.memory_space<semaphore_mem>>) src(%dma_wait3A_20 : memref<640x128xf32, #tpu.memory_space<hbm>>) dst(%dma_wait3A_18 : memref<640x128xf32, #tpu.memory_space<vmem_shared>>)
      tpu.yield
    }) : () -> ()
    %barrier3A = arith.constant 0 : index
    tpu.barrier barrier_id(%barrier3A)
    %scan3A = arith.constant 0 : i32
    %scan3A_5 = arith.constant 0 : i32
    %scan3A_6 = arith.constant 125 : i32
    %scan3A_7 = arith.addi %scan3A_5, %scan3A_6 : i32
    %scan3A_8 = arith.constant 1 : i32
    scf.for %scan3A_15 = %scan3A_5 to %scan3A_7 step %scan3A_8  : i32 {
      %mul3A_16 = arith.constant 10000 : i32
      %mul3A_17 = arith.muli %add3A, %mul3A_16 : i32
      %mul3A_18 = arith.constant 80 : i32
      %mul3A_19 = arith.muli %scan3A_15, %mul3A_18 : i32
      %add3A_20 = arith.addi %mul3A_17, %mul3A_19 : i32
      "tpu.region"() ({
        %run_scoped3A = tpu.sem_alloc : memref<!tpu.dma_semaphore, #tpu.memory_space<semaphore_mem>>
        %dma_start3A_25 = tpu.memref_slice %arg2[%add3A_20] : memref<320000xi32, #tpu.memory_space<hbm>> -> memref<80xi32, #tpu.memory_space<hbm>>
        %dma_start3A_26 = tpu.memref_slice %arg2[%add3A_20] : memref<320000xi32, #tpu.memory_space<hbm>> -> memref<80xi32, #tpu.memory_space<hbm>>
        tpu.enqueue_dma source(%dma_start3A_26 : memref<80xi32, #tpu.memory_space<hbm>>) target(%arg7 : memref<80xi32, #tpu.memory_space<vmem>>) target_semaphore(%run_scoped3A : memref<!tpu.dma_semaphore, #tpu.memory_space<semaphore_mem>>)
        %dma_wait3A_27 = tpu.memref_slice %arg2[%add3A_20] : memref<320000xi32, #tpu.memory_space<hbm>> -> memref<80xi32, #tpu.memory_space<hbm>>
        %dma_wait3A_28 = tpu.memref_slice %arg2[%add3A_20] : memref<320000xi32, #tpu.memory_space<hbm>> -> memref<80xi32, #tpu.memory_space<hbm>>
        tpu.wait_dma2 semaphore(%run_scoped3A : memref<!tpu.dma_semaphore, #tpu.memory_space<semaphore_mem>>) src(%dma_wait3A_28 : memref<80xi32, #tpu.memory_space<hbm>>) dst(%arg7 : memref<80xi32, #tpu.memory_space<vmem>>)
        tpu.yield
      }) : () -> ()
      "tpu.region"() ({
        %run_scoped3A = tpu.sem_alloc : memref<!tpu.dma_semaphore, #tpu.memory_space<semaphore_mem>>
        %dma_start3A_25 = tpu.memref_slice %arg3[%add3A_20] : memref<320000xi32, #tpu.memory_space<hbm>> -> memref<80xi32, #tpu.memory_space<hbm>>
        %dma_start3A_26 = tpu.memref_slice %arg3[%add3A_20] : memref<320000xi32, #tpu.memory_space<hbm>> -> memref<80xi32, #tpu.memory_space<hbm>>
        tpu.enqueue_dma source(%dma_start3A_26 : memref<80xi32, #tpu.memory_space<hbm>>) target(%arg8 : memref<80xi32, #tpu.memory_space<vmem>>) target_semaphore(%run_scoped3A : memref<!tpu.dma_semaphore, #tpu.memory_space<semaphore_mem>>)
        %dma_wait3A_27 = tpu.memref_slice %arg3[%add3A_20] : memref<320000xi32, #tpu.memory_space<hbm>> -> memref<80xi32, #tpu.memory_space<hbm>>
        %dma_wait3A_28 = tpu.memref_slice %arg3[%add3A_20] : memref<320000xi32, #tpu.memory_space<hbm>> -> memref<80xi32, #tpu.memory_space<hbm>>
        tpu.wait_dma2 semaphore(%run_scoped3A : memref<!tpu.dma_semaphore, #tpu.memory_space<semaphore_mem>>) src(%dma_wait3A_28 : memref<80xi32, #tpu.memory_space<hbm>>) dst(%arg8 : memref<80xi32, #tpu.memory_space<vmem>>)
        tpu.yield
      }) : () -> ()
      %dma_start3A = arith.constant 0 : i32
      %dma_start3A_21 = arith.constant 0 : i32
      %dma_start3A_22 = tpu.memref_slice %arg4[%dma_start3A, %dma_start3A_21] : memref<10000x128xf32, #tpu.memory_space<hbm>> -> memref<10000x128xf32, #tpu.memory_space<hbm>>
      tpu.enqueue_indirect_dma source(%dma_start3A_22 : memref<10000x128xf32, #tpu.memory_space<hbm>>) target(%arg9 : memref<80x128xf32, #tpu.memory_space<vmem>>) offsets(%arg7 : memref<80xi32, #tpu.memory_space<vmem>>) semaphore(%arg11 : memref<!tpu.dma_semaphore, #tpu.memory_space<semaphore_mem>>)
      %dma_wait3A = arith.constant 0 : i32
      %dma_wait3A_23 = arith.constant 0 : i32
      %dma_wait3A_24 = tpu.memref_slice %arg4[%dma_wait3A, %dma_wait3A_23] : memref<10000x128xf32, #tpu.memory_space<hbm>> -> memref<10000x128xf32, #tpu.memory_space<hbm>>
      tpu.wait_indirect_dma semaphore(%arg11 : memref<!tpu.dma_semaphore, #tpu.memory_space<semaphore_mem>>) src(%dma_wait3A_24 : memref<10000x128xf32, #tpu.memory_space<hbm>>) dst(%arg9 : memref<80x128xf32, #tpu.memory_space<vmem>>)
      "tpu.region"() ({
        %run_scoped3A = tpu.sem_alloc : memref<!tpu.dma_semaphore, #tpu.memory_space<semaphore_mem>>
        %dma_start3A_25 = arith.constant 0 : i32
        %dma_start3A_26 = arith.constant 0 : i32
        %dma_start3A_27 = tpu.memref_slice %arg10[%dma_start3A_25, %dma_start3A_26] : memref<10240x128xf32, #tpu.memory_space<vmem_shared>> -> memref<10240x128xf32, #tpu.memory_space<vmem_shared>>
        tpu.enqueue_indirect_dma source(%arg9 : memref<80x128xf32, #tpu.memory_space<vmem>>) target(%dma_start3A_27 : memref<10240x128xf32, #tpu.memory_space<vmem_shared>>) offsets(%arg8 : memref<80xi32, #tpu.memory_space<vmem>>) semaphore(%run_scoped3A : memref<!tpu.dma_semaphore, #tpu.memory_space<semaphore_mem>>) {add = true}
        %dma_wait3A_28 = arith.constant 0 : i32
        %dma_wait3A_29 = arith.constant 0 : i32
        %dma_wait3A_30 = tpu.memref_slice %arg10[%dma_wait3A_28, %dma_wait3A_29] : memref<10240x128xf32, #tpu.memory_space<vmem_shared>> -> memref<10240x128xf32, #tpu.memory_space<vmem_shared>>
        tpu.wait_indirect_dma semaphore(%run_scoped3A : memref<!tpu.dma_semaphore, #tpu.memory_space<semaphore_mem>>) src(%arg9 : memref<80x128xf32, #tpu.memory_space<vmem>>) dst(%dma_wait3A_30 : memref<10240x128xf32, #tpu.memory_space<vmem_shared>>)
        tpu.yield
      }) : () -> ()
    }
    %scan3A_9 = arith.constant 125 : i32
    %barrier3A_10 = arith.constant 0 : index
    tpu.barrier barrier_id(%barrier3A_10)
    %mul3A_11 = arith.constant 640 : i32
    %mul3A_12 = arith.muli %arg1, %mul3A_11 : i32
    %mul3A_13 = arith.constant 640 : i32
    %mul3A_14 = arith.muli %arg1, %mul3A_13 : i32
    "tpu.region"() ({
      %run_scoped3A = tpu.sem_alloc : memref<!tpu.dma_semaphore, #tpu.memory_space<semaphore_mem>>
      %dma_start3A = arith.constant 0 : i32
      %dma_start3A_15 = tpu.memref_slice %arg6[%arg0, %mul3A_14, %dma_start3A] : memref<2x10240x128xf32, #tpu.memory_space<hbm>> -> memref<1x640x128xf32, #tpu.memory_space<hbm>>
      %dma_start3A_16 = tpu.memref_squeeze %dma_start3A_15 : memref<1x640x128xf32, #tpu.memory_space<hbm>> -> memref<640x128xf32, #tpu.memory_space<hbm>>
      %dma_start3A_17 = arith.constant 0 : i32
      %dma_start3A_18 = tpu.memref_slice %arg10[%mul3A_12, %dma_start3A_17] : memref<10240x128xf32, #tpu.memory_space<vmem_shared>> -> memref<640x128xf32, #tpu.memory_space<vmem_shared>>
      tpu.enqueue_dma source(%dma_start3A_18 : memref<640x128xf32, #tpu.memory_space<vmem_shared>>) target(%dma_start3A_16 : memref<640x128xf32, #tpu.memory_space<hbm>>) target_semaphore(%run_scoped3A : memref<!tpu.dma_semaphore, #tpu.memory_space<semaphore_mem>>)
      %dma_wait3A = arith.constant 0 : i32
      %dma_wait3A_19 = tpu.memref_slice %arg6[%arg0, %mul3A_14, %dma_wait3A] : memref<2x10240x128xf32, #tpu.memory_space<hbm>> -> memref<1x640x128xf32, #tpu.memory_space<hbm>>
      %dma_wait3A_20 = tpu.memref_squeeze %dma_wait3A_19 : memref<1x640x128xf32, #tpu.memory_space<hbm>> -> memref<640x128xf32, #tpu.memory_space<hbm>>
      %dma_wait3A_21 = arith.constant 0 : i32
      %dma_wait3A_22 = tpu.memref_slice %arg10[%mul3A_12, %dma_wait3A_21] : memref<10240x128xf32, #tpu.memory_space<vmem_shared>> -> memref<640x128xf32, #tpu.memory_space<vmem_shared>>
      tpu.wait_dma2 semaphore(%run_scoped3A : memref<!tpu.dma_semaphore, #tpu.memory_space<semaphore_mem>>) src(%dma_wait3A_22 : memref<640x128xf32, #tpu.memory_space<vmem_shared>>) dst(%dma_wait3A_20 : memref<640x128xf32, #tpu.memory_space<hbm>>)
      tpu.yield
    }) : () -> ()
    return
  }
}

#map = affine_map<(d0, d1) -> (0)>
#map1 = affine_map<(d0, d1) -> (0, 0)>
module attributes {stable_mosaic.version = 14 : i64} {
  func.func @gather(%arg0: i32, %arg1: i32, %arg2: memref<320000xi32, #tpu.memory_space<hbm>>, %arg3: memref<320000xi32, #tpu.memory_space<hbm>>, %arg4: memref<10000x128xf32, #tpu.memory_space<hbm>>, %arg5: memref<10000x128xf32, #tpu.memory_space<hbm>>, %arg6: memref<320000x128xf32, #tpu.memory_space<hbm>>, %arg7: memref<80xi32, #tpu.memory_space<vmem>>, %arg8: memref<80xi32, #tpu.memory_space<vmem>>, %arg9: memref<80x128xf32, #tpu.memory_space<vmem>>, %arg10: memref<80x128xf32, #tpu.memory_space<vmem>>, %arg11: memref<!tpu.dma_semaphore, #tpu.memory_space<semaphore_mem>>, %arg12: memref<!tpu.dma_semaphore, #tpu.memory_space<semaphore_mem>>) attributes {dimension_semantics = [#tpu.dimension_semantics<core_parallel>, #tpu.dimension_semantics<subcore_parallel>], iteration_bounds = array<i64: 2, 16>, scalar_prefetch = 0 : i64, scratch_operands = 6 : i64, tpu.core_type = #tpu.core_type<sc_vector_subcore>, window_params = [{transform_indices = #map}, {transform_indices = #map}, {transform_indices = #map1}, {transform_indices = #map1}, {transform_indices = #map1}]} {
    %mul3A = arith.constant 16 : i32
    %mul3A_0 = arith.muli %arg0, %mul3A : i32
    %add3A = arith.addi %mul3A_0, %arg1 : i32
    %scan3A = arith.constant 0 : i32
    %scan3A_1 = arith.constant 0 : i32
    %scan3A_2 = arith.constant 125 : i32
    %scan3A_3 = arith.addi %scan3A_1, %scan3A_2 : i32
    %scan3A_4 = arith.constant 1 : i32
    scf.for %scan3A_6 = %scan3A_1 to %scan3A_3 step %scan3A_4  : i32 {
      %mul3A_7 = arith.constant 10000 : i32
      %mul3A_8 = arith.muli %add3A, %mul3A_7 : i32
      %mul3A_9 = arith.constant 80 : i32
      %mul3A_10 = arith.muli %scan3A_6, %mul3A_9 : i32
      %add3A_11 = arith.addi %mul3A_8, %mul3A_10 : i32
      "tpu.region"() ({
        %run_scoped3A = tpu.sem_alloc : memref<!tpu.dma_semaphore, #tpu.memory_space<semaphore_mem>>
        %dma_start3A_28 = tpu.memref_slice %arg2[%add3A_11] : memref<320000xi32, #tpu.memory_space<hbm>> -> memref<80xi32, #tpu.memory_space<hbm>>
        %dma_start3A_29 = tpu.memref_slice %arg2[%add3A_11] : memref<320000xi32, #tpu.memory_space<hbm>> -> memref<80xi32, #tpu.memory_space<hbm>>
        tpu.enqueue_dma source(%dma_start3A_29 : memref<80xi32, #tpu.memory_space<hbm>>) target(%arg7 : memref<80xi32, #tpu.memory_space<vmem>>) target_semaphore(%run_scoped3A : memref<!tpu.dma_semaphore, #tpu.memory_space<semaphore_mem>>)
        %dma_wait3A_30 = tpu.memref_slice %arg2[%add3A_11] : memref<320000xi32, #tpu.memory_space<hbm>> -> memref<80xi32, #tpu.memory_space<hbm>>
        %dma_wait3A_31 = tpu.memref_slice %arg2[%add3A_11] : memref<320000xi32, #tpu.memory_space<hbm>> -> memref<80xi32, #tpu.memory_space<hbm>>
        tpu.wait_dma2 semaphore(%run_scoped3A : memref<!tpu.dma_semaphore, #tpu.memory_space<semaphore_mem>>) src(%dma_wait3A_31 : memref<80xi32, #tpu.memory_space<hbm>>) dst(%arg7 : memref<80xi32, #tpu.memory_space<vmem>>)
        tpu.yield
      }) : () -> ()
      "tpu.region"() ({
        %run_scoped3A = tpu.sem_alloc : memref<!tpu.dma_semaphore, #tpu.memory_space<semaphore_mem>>
        %dma_start3A_28 = tpu.memref_slice %arg3[%add3A_11] : memref<320000xi32, #tpu.memory_space<hbm>> -> memref<80xi32, #tpu.memory_space<hbm>>
        %dma_start3A_29 = tpu.memref_slice %arg3[%add3A_11] : memref<320000xi32, #tpu.memory_space<hbm>> -> memref<80xi32, #tpu.memory_space<hbm>>
        tpu.enqueue_dma source(%dma_start3A_29 : memref<80xi32, #tpu.memory_space<hbm>>) target(%arg8 : memref<80xi32, #tpu.memory_space<vmem>>) target_semaphore(%run_scoped3A : memref<!tpu.dma_semaphore, #tpu.memory_space<semaphore_mem>>)
        %dma_wait3A_30 = tpu.memref_slice %arg3[%add3A_11] : memref<320000xi32, #tpu.memory_space<hbm>> -> memref<80xi32, #tpu.memory_space<hbm>>
        %dma_wait3A_31 = tpu.memref_slice %arg3[%add3A_11] : memref<320000xi32, #tpu.memory_space<hbm>> -> memref<80xi32, #tpu.memory_space<hbm>>
        tpu.wait_dma2 semaphore(%run_scoped3A : memref<!tpu.dma_semaphore, #tpu.memory_space<semaphore_mem>>) src(%dma_wait3A_31 : memref<80xi32, #tpu.memory_space<hbm>>) dst(%arg8 : memref<80xi32, #tpu.memory_space<vmem>>)
        tpu.yield
      }) : () -> ()
      %dma_start3A = arith.constant 0 : i32
      %dma_start3A_12 = arith.constant 0 : i32
      %dma_start3A_13 = tpu.memref_slice %arg4[%dma_start3A, %dma_start3A_12] : memref<10000x128xf32, #tpu.memory_space<hbm>> -> memref<10000x128xf32, #tpu.memory_space<hbm>>
      tpu.enqueue_indirect_dma source(%dma_start3A_13 : memref<10000x128xf32, #tpu.memory_space<hbm>>) target(%arg9 : memref<80x128xf32, #tpu.memory_space<vmem>>) offsets(%arg7 : memref<80xi32, #tpu.memory_space<vmem>>) semaphore(%arg11 : memref<!tpu.dma_semaphore, #tpu.memory_space<semaphore_mem>>)
      %dma_start3A_14 = arith.constant 0 : i32
      %dma_start3A_15 = arith.constant 0 : i32
      %dma_start3A_16 = tpu.memref_slice %arg5[%dma_start3A_14, %dma_start3A_15] : memref<10000x128xf32, #tpu.memory_space<hbm>> -> memref<10000x128xf32, #tpu.memory_space<hbm>>
      tpu.enqueue_indirect_dma source(%dma_start3A_16 : memref<10000x128xf32, #tpu.memory_space<hbm>>) target(%arg10 : memref<80x128xf32, #tpu.memory_space<vmem>>) offsets(%arg8 : memref<80xi32, #tpu.memory_space<vmem>>) semaphore(%arg12 : memref<!tpu.dma_semaphore, #tpu.memory_space<semaphore_mem>>)
      %dma_wait3A = arith.constant 0 : i32
      %dma_wait3A_17 = arith.constant 0 : i32
      %dma_wait3A_18 = tpu.memref_slice %arg4[%dma_wait3A, %dma_wait3A_17] : memref<10000x128xf32, #tpu.memory_space<hbm>> -> memref<10000x128xf32, #tpu.memory_space<hbm>>
      tpu.wait_indirect_dma semaphore(%arg11 : memref<!tpu.dma_semaphore, #tpu.memory_space<semaphore_mem>>) src(%dma_wait3A_18 : memref<10000x128xf32, #tpu.memory_space<hbm>>) dst(%arg9 : memref<80x128xf32, #tpu.memory_space<vmem>>)
      %dma_wait3A_19 = arith.constant 0 : i32
      %dma_wait3A_20 = arith.constant 0 : i32
      %dma_wait3A_21 = tpu.memref_slice %arg5[%dma_wait3A_19, %dma_wait3A_20] : memref<10000x128xf32, #tpu.memory_space<hbm>> -> memref<10000x128xf32, #tpu.memory_space<hbm>>
      tpu.wait_indirect_dma semaphore(%arg12 : memref<!tpu.dma_semaphore, #tpu.memory_space<semaphore_mem>>) src(%dma_wait3A_21 : memref<10000x128xf32, #tpu.memory_space<hbm>>) dst(%arg10 : memref<80x128xf32, #tpu.memory_space<vmem>>)
      %scan3A_22 = arith.constant 0 : i32
      %scan3A_23 = arith.constant 0 : i32
      %scan3A_24 = arith.constant 80 : i32
      %scan3A_25 = arith.addi %scan3A_23, %scan3A_24 : i32
      %scan3A_26 = arith.constant 1 : i32
      scf.for %scan3A_28 = %scan3A_23 to %scan3A_25 step %scan3A_26  : i32 {
        %get3A = arith.index_cast %scan3A_28 : i32 to index
        %get3A_29 = arith.constant 0 : index
        %get3A_30 = tpu.vector_load %arg9[%get3A, %get3A_29] {strides = array<i32>} : memref<80x128xf32, #tpu.memory_space<vmem>>, vector<1x16xf32>,
        %get3A_31 = vector.shape_cast %get3A_30 : vector<1x16xf32> to vector<16xf32>
        %get3A_32 = arith.index_cast %scan3A_28 : i32 to index
        %get3A_33 = arith.constant 0 : index
        %get3A_34 = tpu.vector_load %arg10[%get3A_32, %get3A_33] {strides = array<i32>} : memref<80x128xf32, #tpu.memory_space<vmem>>, vector<1x16xf32>,
        %get3A_35 = vector.shape_cast %get3A_34 : vector<1x16xf32> to vector<16xf32>
        %add3A_36 = arith.addf %get3A_31, %get3A_35 : vector<16xf32>
        %swap3A = arith.index_cast %scan3A_28 : i32 to index
        %swap3A_37 = arith.constant 0 : index
        %swap3A_38 = tpu.vector_load %arg9[%swap3A, %swap3A_37] {strides = array<i32>} : memref<80x128xf32, #tpu.memory_space<vmem>>, vector<1x16xf32>,
        %swap3A_39 = vector.shape_cast %swap3A_38 : vector<1x16xf32> to vector<16xf32>
        %swap3A_40 = vector.shape_cast %add3A_36 : vector<16xf32> to vector<1x16xf32>
        tpu.vector_store %arg9[%swap3A, %swap3A_37], %swap3A_40 {strides = array<i32>} : memref<80x128xf32, #tpu.memory_space<vmem>>, vector<1x16xf32>,
        %get3A_41 = arith.index_cast %scan3A_28 : i32 to index
        %get3A_42 = arith.constant 16 : index
        %get3A_43 = tpu.vector_load %arg9[%get3A_41, %get3A_42] {strides = array<i32>} : memref<80x128xf32, #tpu.memory_space<vmem>>, vector<1x16xf32>,
        %get3A_44 = vector.shape_cast %get3A_43 : vector<1x16xf32> to vector<16xf32>
        %get3A_45 = arith.index_cast %scan3A_28 : i32 to index
        %get3A_46 = arith.constant 16 : index
        %get3A_47 = tpu.vector_load %arg10[%get3A_45, %get3A_46] {strides = array<i32>} : memref<80x128xf32, #tpu.memory_space<vmem>>, vector<1x16xf32>,
        %get3A_48 = vector.shape_cast %get3A_47 : vector<1x16xf32> to vector<16xf32>
        %add3A_49 = arith.addf %get3A_44, %get3A_48 : vector<16xf32>
        %swap3A_50 = arith.index_cast %scan3A_28 : i32 to index
        %swap3A_51 = arith.constant 16 : index
        %swap3A_52 = tpu.vector_load %arg9[%swap3A_50, %swap3A_51] {strides = array<i32>} : memref<80x128xf32, #tpu.memory_space<vmem>>, vector<1x16xf32>,
        %swap3A_53 = vector.shape_cast %swap3A_52 : vector<1x16xf32> to vector<16xf32>
        %swap3A_54 = vector.shape_cast %add3A_49 : vector<16xf32> to vector<1x16xf32>
        tpu.vector_store %arg9[%swap3A_50, %swap3A_51], %swap3A_54 {strides = array<i32>} : memref<80x128xf32, #tpu.memory_space<vmem>>, vector<1x16xf32>,
        %get3A_55 = arith.index_cast %scan3A_28 : i32 to index
        %get3A_56 = arith.constant 32 : index
        %get3A_57 = tpu.vector_load %arg9[%get3A_55, %get3A_56] {strides = array<i32>} : memref<80x128xf32, #tpu.memory_space<vmem>>, vector<1x16xf32>,
        %get3A_58 = vector.shape_cast %get3A_57 : vector<1x16xf32> to vector<16xf32>
        %get3A_59 = arith.index_cast %scan3A_28 : i32 to index
        %get3A_60 = arith.constant 32 : index
        %get3A_61 = tpu.vector_load %arg10[%get3A_59, %get3A_60] {strides = array<i32>} : memref<80x128xf32, #tpu.memory_space<vmem>>, vector<1x16xf32>,
        %get3A_62 = vector.shape_cast %get3A_61 : vector<1x16xf32> to vector<16xf32>
        %add3A_63 = arith.addf %get3A_58, %get3A_62 : vector<16xf32>
        %swap3A_64 = arith.index_cast %scan3A_28 : i32 to index
        %swap3A_65 = arith.constant 32 : index
        %swap3A_66 = tpu.vector_load %arg9[%swap3A_64, %swap3A_65] {strides = array<i32>} : memref<80x128xf32, #tpu.memory_space<vmem>>, vector<1x16xf32>,
        %swap3A_67 = vector.shape_cast %swap3A_66 : vector<1x16xf32> to vector<16xf32>
        %swap3A_68 = vector.shape_cast %add3A_63 : vector<16xf32> to vector<1x16xf32>
        tpu.vector_store %arg9[%swap3A_64, %swap3A_65], %swap3A_68 {strides = array<i32>} : memref<80x128xf32, #tpu.memory_space<vmem>>, vector<1x16xf32>,
        %get3A_69 = arith.index_cast %scan3A_28 : i32 to index
        %get3A_70 = arith.constant 48 : index
        %get3A_71 = tpu.vector_load %arg9[%get3A_69, %get3A_70] {strides = array<i32>} : memref<80x128xf32, #tpu.memory_space<vmem>>, vector<1x16xf32>,
        %get3A_72 = vector.shape_cast %get3A_71 : vector<1x16xf32> to vector<16xf32>
        %get3A_73 = arith.index_cast %scan3A_28 : i32 to index
        %get3A_74 = arith.constant 48 : index
        %get3A_75 = tpu.vector_load %arg10[%get3A_73, %get3A_74] {strides = array<i32>} : memref<80x128xf32, #tpu.memory_space<vmem>>, vector<1x16xf32>,
        %get3A_76 = vector.shape_cast %get3A_75 : vector<1x16xf32> to vector<16xf32>
        %add3A_77 = arith.addf %get3A_72, %get3A_76 : vector<16xf32>
        %swap3A_78 = arith.index_cast %scan3A_28 : i32 to index
        %swap3A_79 = arith.constant 48 : index
        %swap3A_80 = tpu.vector_load %arg9[%swap3A_78, %swap3A_79] {strides = array<i32>} : memref<80x128xf32, #tpu.memory_space<vmem>>, vector<1x16xf32>,
        %swap3A_81 = vector.shape_cast %swap3A_80 : vector<1x16xf32> to vector<16xf32>
        %swap3A_82 = vector.shape_cast %add3A_77 : vector<16xf32> to vector<1x16xf32>
        tpu.vector_store %arg9[%swap3A_78, %swap3A_79], %swap3A_82 {strides = array<i32>} : memref<80x128xf32, #tpu.memory_space<vmem>>, vector<1x16xf32>,
        %get3A_83 = arith.index_cast %scan3A_28 : i32 to index
        %get3A_84 = arith.constant 64 : index
        %get3A_85 = tpu.vector_load %arg9[%get3A_83, %get3A_84] {strides = array<i32>} : memref<80x128xf32, #tpu.memory_space<vmem>>, vector<1x16xf32>,
        %get3A_86 = vector.shape_cast %get3A_85 : vector<1x16xf32> to vector<16xf32>
        %get3A_87 = arith.index_cast %scan3A_28 : i32 to index
        %get3A_88 = arith.constant 64 : index
        %get3A_89 = tpu.vector_load %arg10[%get3A_87, %get3A_88] {strides = array<i32>} : memref<80x128xf32, #tpu.memory_space<vmem>>, vector<1x16xf32>,
        %get3A_90 = vector.shape_cast %get3A_89 : vector<1x16xf32> to vector<16xf32>
        %add3A_91 = arith.addf %get3A_86, %get3A_90 : vector<16xf32>
        %swap3A_92 = arith.index_cast %scan3A_28 : i32 to index
        %swap3A_93 = arith.constant 64 : index
        %swap3A_94 = tpu.vector_load %arg9[%swap3A_92, %swap3A_93] {strides = array<i32>} : memref<80x128xf32, #tpu.memory_space<vmem>>, vector<1x16xf32>,
        %swap3A_95 = vector.shape_cast %swap3A_94 : vector<1x16xf32> to vector<16xf32>
        %swap3A_96 = vector.shape_cast %add3A_91 : vector<16xf32> to vector<1x16xf32>
        tpu.vector_store %arg9[%swap3A_92, %swap3A_93], %swap3A_96 {strides = array<i32>} : memref<80x128xf32, #tpu.memory_space<vmem>>, vector<1x16xf32>,
        %get3A_97 = arith.index_cast %scan3A_28 : i32 to index
        %get3A_98 = arith.constant 80 : index
        %get3A_99 = tpu.vector_load %arg9[%get3A_97, %get3A_98] {strides = array<i32>} : memref<80x128xf32, #tpu.memory_space<vmem>>, vector<1x16xf32>,
        %get3A_100 = vector.shape_cast %get3A_99 : vector<1x16xf32> to vector<16xf32>
        %get3A_101 = arith.index_cast %scan3A_28 : i32 to index
        %get3A_102 = arith.constant 80 : index
        %get3A_103 = tpu.vector_load %arg10[%get3A_101, %get3A_102] {strides = array<i32>} : memref<80x128xf32, #tpu.memory_space<vmem>>, vector<1x16xf32>,
        %get3A_104 = vector.shape_cast %get3A_103 : vector<1x16xf32> to vector<16xf32>
        %add3A_105 = arith.addf %get3A_100, %get3A_104 : vector<16xf32>
        %swap3A_106 = arith.index_cast %scan3A_28 : i32 to index
        %swap3A_107 = arith.constant 80 : index
        %swap3A_108 = tpu.vector_load %arg9[%swap3A_106, %swap3A_107] {strides = array<i32>} : memref<80x128xf32, #tpu.memory_space<vmem>>, vector<1x16xf32>,
        %swap3A_109 = vector.shape_cast %swap3A_108 : vector<1x16xf32> to vector<16xf32>
        %swap3A_110 = vector.shape_cast %add3A_105 : vector<16xf32> to vector<1x16xf32>
        tpu.vector_store %arg9[%swap3A_106, %swap3A_107], %swap3A_110 {strides = array<i32>} : memref<80x128xf32, #tpu.memory_space<vmem>>, vector<1x16xf32>,
        %get3A_111 = arith.index_cast %scan3A_28 : i32 to index
        %get3A_112 = arith.constant 96 : index
        %get3A_113 = tpu.vector_load %arg9[%get3A_111, %get3A_112] {strides = array<i32>} : memref<80x128xf32, #tpu.memory_space<vmem>>, vector<1x16xf32>,
        %get3A_114 = vector.shape_cast %get3A_113 : vector<1x16xf32> to vector<16xf32>
        %get3A_115 = arith.index_cast %scan3A_28 : i32 to index
        %get3A_116 = arith.constant 96 : index
        %get3A_117 = tpu.vector_load %arg10[%get3A_115, %get3A_116] {strides = array<i32>} : memref<80x128xf32, #tpu.memory_space<vmem>>, vector<1x16xf32>,
        %get3A_118 = vector.shape_cast %get3A_117 : vector<1x16xf32> to vector<16xf32>
        %add3A_119 = arith.addf %get3A_114, %get3A_118 : vector<16xf32>
        %swap3A_120 = arith.index_cast %scan3A_28 : i32 to index
        %swap3A_121 = arith.constant 96 : index
        %swap3A_122 = tpu.vector_load %arg9[%swap3A_120, %swap3A_121] {strides = array<i32>} : memref<80x128xf32, #tpu.memory_space<vmem>>, vector<1x16xf32>,
        %swap3A_123 = vector.shape_cast %swap3A_122 : vector<1x16xf32> to vector<16xf32>
        %swap3A_124 = vector.shape_cast %add3A_119 : vector<16xf32> to vector<1x16xf32>
        tpu.vector_store %arg9[%swap3A_120, %swap3A_121], %swap3A_124 {strides = array<i32>} : memref<80x128xf32, #tpu.memory_space<vmem>>, vector<1x16xf32>,
        %get3A_125 = arith.index_cast %scan3A_28 : i32 to index
        %get3A_126 = arith.constant 112 : index
        %get3A_127 = tpu.vector_load %arg9[%get3A_125, %get3A_126] {strides = array<i32>} : memref<80x128xf32, #tpu.memory_space<vmem>>, vector<1x16xf32>,
        %get3A_128 = vector.shape_cast %get3A_127 : vector<1x16xf32> to vector<16xf32>
        %get3A_129 = arith.index_cast %scan3A_28 : i32 to index
        %get3A_130 = arith.constant 112 : index
        %get3A_131 = tpu.vector_load %arg10[%get3A_129, %get3A_130] {strides = array<i32>} : memref<80x128xf32, #tpu.memory_space<vmem>>, vector<1x16xf32>,
        %get3A_132 = vector.shape_cast %get3A_131 : vector<1x16xf32> to vector<16xf32>
        %add3A_133 = arith.addf %get3A_128, %get3A_132 : vector<16xf32>
        %swap3A_134 = arith.index_cast %scan3A_28 : i32 to index
        %swap3A_135 = arith.constant 112 : index
        %swap3A_136 = tpu.vector_load %arg9[%swap3A_134, %swap3A_135] {strides = array<i32>} : memref<80x128xf32, #tpu.memory_space<vmem>>, vector<1x16xf32>,
        %swap3A_137 = vector.shape_cast %swap3A_136 : vector<1x16xf32> to vector<16xf32>
        %swap3A_138 = vector.shape_cast %add3A_133 : vector<16xf32> to vector<1x16xf32>
        tpu.vector_store %arg9[%swap3A_134, %swap3A_135], %swap3A_138 {strides = array<i32>} : memref<80x128xf32, #tpu.memory_space<vmem>>, vector<1x16xf32>,
      }
      %scan3A_27 = arith.constant 80 : i32
      "tpu.region"() ({
        %run_scoped3A = tpu.sem_alloc : memref<!tpu.dma_semaphore, #tpu.memory_space<semaphore_mem>>
        %dma_start3A_28 = arith.constant 0 : i32
        %dma_start3A_29 = tpu.memref_slice %arg6[%add3A_11, %dma_start3A_28] : memref<320000x128xf32, #tpu.memory_space<hbm>> -> memref<80x128xf32, #tpu.memory_space<hbm>>
        %dma_start3A_30 = arith.constant 0 : i32
        %dma_start3A_31 = tpu.memref_slice %arg6[%add3A_11, %dma_start3A_30] : memref<320000x128xf32, #tpu.memory_space<hbm>> -> memref<80x128xf32, #tpu.memory_space<hbm>>
        tpu.enqueue_dma source(%arg9 : memref<80x128xf32, #tpu.memory_space<vmem>>) target(%dma_start3A_31 : memref<80x128xf32, #tpu.memory_space<hbm>>) target_semaphore(%run_scoped3A : memref<!tpu.dma_semaphore, #tpu.memory_space<semaphore_mem>>)
        %dma_wait3A_32 = arith.constant 0 : i32
        %dma_wait3A_33 = tpu.memref_slice %arg6[%add3A_11, %dma_wait3A_32] : memref<320000x128xf32, #tpu.memory_space<hbm>> -> memref<80x128xf32, #tpu.memory_space<hbm>>
        %dma_wait3A_34 = arith.constant 0 : i32
        %dma_wait3A_35 = tpu.memref_slice %arg6[%add3A_11, %dma_wait3A_34] : memref<320000x128xf32, #tpu.memory_space<hbm>> -> memref<80x128xf32, #tpu.memory_space<hbm>>
        tpu.wait_dma2 semaphore(%run_scoped3A : memref<!tpu.dma_semaphore, #tpu.memory_space<semaphore_mem>>) src(%arg9 : memref<80x128xf32, #tpu.memory_space<vmem>>) dst(%dma_wait3A_35 : memref<80x128xf32, #tpu.memory_space<hbm>>)
        tpu.yield
      }) : () -> ()
    }
    %scan3A_5 = arith.constant 125 : i32
    return
  }
}

#map = affine_map<(d0, d1) -> (0)>
#map1 = affine_map<(d0, d1) -> (0, 0)>
#map2 = affine_map<(d0, d1) -> (0, 0, 0)>
module attributes {stable_mosaic.version = 14 : i64} {
  func.func @scat(%arg0: i32, %arg1: i32, %arg2: memref<320000xi32, #tpu.memory_space<hbm>>, %arg3: memref<320000xi32, #tpu.memory_space<hbm>>, %arg4: memref<10000x128xf32, #tpu.memory_space<hbm>>, %arg5: memref<10240x128xf32, #tpu.memory_space<hbm>>, %arg6: memref<2x10240x128xf32, #tpu.memory_space<hbm>>, %arg7: memref<80xi32, #tpu.memory_space<vmem>>, %arg8: memref<80xi32, #tpu.memory_space<vmem>>, %arg9: memref<80x128xf32, #tpu.memory_space<vmem>>, %arg10: memref<10240x128xf32, #tpu.memory_space<vmem_shared>>, %arg11: memref<!tpu.dma_semaphore, #tpu.memory_space<semaphore_mem>>) attributes {dimension_semantics = [#tpu.dimension_semantics<core_parallel>, #tpu.dimension_semantics<subcore_parallel>], iteration_bounds = array<i64: 2, 16>, scalar_prefetch = 0 : i64, scratch_operands = 5 : i64, tpu.core_type = #tpu.core_type<sc_vector_subcore>, window_params = [{transform_indices = #map}, {transform_indices = #map}, {transform_indices = #map1}, {transform_indices = #map1}, {transform_indices = #map2}]} {
    %mul3A = arith.constant 16 : i32
    %mul3A_0 = arith.muli %arg0, %mul3A : i32
    %add3A = arith.addi %mul3A_0, %arg1 : i32
    %mul3A_1 = arith.constant 640 : i32
    %mul3A_2 = arith.muli %arg1, %mul3A_1 : i32
    %mul3A_3 = arith.constant 640 : i32
    %mul3A_4 = arith.muli %arg1, %mul3A_3 : i32
    "tpu.region"() ({
      %run_scoped3A = tpu.sem_alloc : memref<!tpu.dma_semaphore, #tpu.memory_space<semaphore_mem>>
      %dma_start3A = arith.constant 0 : i32
      %dma_start3A_15 = tpu.memref_slice %arg10[%mul3A_4, %dma_start3A] : memref<10240x128xf32, #tpu.memory_space<vmem_shared>> -> memref<640x128xf32, #tpu.memory_space<vmem_shared>>
      %dma_start3A_16 = arith.constant 0 : i32
      %dma_start3A_17 = tpu.memref_slice %arg5[%mul3A_2, %dma_start3A_16] : memref<10240x128xf32, #tpu.memory_space<hbm>> -> memref<640x128xf32, #tpu.memory_space<hbm>>
      tpu.enqueue_dma source(%dma_start3A_17 : memref<640x128xf32, #tpu.memory_space<hbm>>) target(%dma_start3A_15 : memref<640x128xf32, #tpu.memory_space<vmem_shared>>) target_semaphore(%run_scoped3A : memref<!tpu.dma_semaphore, #tpu.memory_space<semaphore_mem>>)
      %dma_wait3A = arith.constant 0 : i32
      %dma_wait3A_18 = tpu.memref_slice %arg10[%mul3A_4, %dma_wait3A] : memref<10240x128xf32, #tpu.memory_space<vmem_shared>> -> memref<640x128xf32, #tpu.memory_space<vmem_shared>>
      %dma_wait3A_19 = arith.constant 0 : i32
      %dma_wait3A_20 = tpu.memref_slice %arg5[%mul3A_2, %dma_wait3A_19] : memref<10240x128xf32, #tpu.memory_space<hbm>> -> memref<640x128xf32, #tpu.memory_space<hbm>>
      tpu.wait_dma2 semaphore(%run_scoped3A : memref<!tpu.dma_semaphore, #tpu.memory_space<semaphore_mem>>) src(%dma_wait3A_20 : memref<640x128xf32, #tpu.memory_space<hbm>>) dst(%dma_wait3A_18 : memref<640x128xf32, #tpu.memory_space<vmem_shared>>)
      tpu.yield
    }) : () -> ()
    %barrier3A = arith.constant 0 : index
    tpu.barrier barrier_id(%barrier3A)
    %scan3A = arith.constant 0 : i32
    %scan3A_5 = arith.constant 0 : i32
    %scan3A_6 = arith.constant 125 : i32
    %scan3A_7 = arith.addi %scan3A_5, %scan3A_6 : i32
    %scan3A_8 = arith.constant 1 : i32
    scf.for %scan3A_15 = %scan3A_5 to %scan3A_7 step %scan3A_8  : i32 {
      %mul3A_16 = arith.constant 10000 : i32
      %mul3A_17 = arith.muli %add3A, %mul3A_16 : i32
      %mul3A_18 = arith.constant 80 : i32
      %mul3A_19 = arith.muli %scan3A_15, %mul3A_18 : i32
      %add3A_20 = arith.addi %mul3A_17, %mul3A_19 : i32
      "tpu.region"() ({
        %run_scoped3A = tpu.sem_alloc : memref<!tpu.dma_semaphore, #tpu.memory_space<semaphore_mem>>
        %dma_start3A_25 = tpu.memref_slice %arg2[%add3A_20] : memref<320000xi32, #tpu.memory_space<hbm>> -> memref<80xi32, #tpu.memory_space<hbm>>
        %dma_start3A_26 = tpu.memref_slice %arg2[%add3A_20] : memref<320000xi32, #tpu.memory_space<hbm>> -> memref<80xi32, #tpu.memory_space<hbm>>
        tpu.enqueue_dma source(%dma_start3A_26 : memref<80xi32, #tpu.memory_space<hbm>>) target(%arg7 : memref<80xi32, #tpu.memory_space<vmem>>) target_semaphore(%run_scoped3A : memref<!tpu.dma_semaphore, #tpu.memory_space<semaphore_mem>>)
        %dma_wait3A_27 = tpu.memref_slice %arg2[%add3A_20] : memref<320000xi32, #tpu.memory_space<hbm>> -> memref<80xi32, #tpu.memory_space<hbm>>
        %dma_wait3A_28 = tpu.memref_slice %arg2[%add3A_20] : memref<320000xi32, #tpu.memory_space<hbm>> -> memref<80xi32, #tpu.memory_space<hbm>>
        tpu.wait_dma2 semaphore(%run_scoped3A : memref<!tpu.dma_semaphore, #tpu.memory_space<semaphore_mem>>) src(%dma_wait3A_28 : memref<80xi32, #tpu.memory_space<hbm>>) dst(%arg7 : memref<80xi32, #tpu.memory_space<vmem>>)
        tpu.yield
      }) : () -> ()
      "tpu.region"() ({
        %run_scoped3A = tpu.sem_alloc : memref<!tpu.dma_semaphore, #tpu.memory_space<semaphore_mem>>
        %dma_start3A_25 = tpu.memref_slice %arg3[%add3A_20] : memref<320000xi32, #tpu.memory_space<hbm>> -> memref<80xi32, #tpu.memory_space<hbm>>
        %dma_start3A_26 = tpu.memref_slice %arg3[%add3A_20] : memref<320000xi32, #tpu.memory_space<hbm>> -> memref<80xi32, #tpu.memory_space<hbm>>
        tpu.enqueue_dma source(%dma_start3A_26 : memref<80xi32, #tpu.memory_space<hbm>>) target(%arg8 : memref<80xi32, #tpu.memory_space<vmem>>) target_semaphore(%run_scoped3A : memref<!tpu.dma_semaphore, #tpu.memory_space<semaphore_mem>>)
        %dma_wait3A_27 = tpu.memref_slice %arg3[%add3A_20] : memref<320000xi32, #tpu.memory_space<hbm>> -> memref<80xi32, #tpu.memory_space<hbm>>
        %dma_wait3A_28 = tpu.memref_slice %arg3[%add3A_20] : memref<320000xi32, #tpu.memory_space<hbm>> -> memref<80xi32, #tpu.memory_space<hbm>>
        tpu.wait_dma2 semaphore(%run_scoped3A : memref<!tpu.dma_semaphore, #tpu.memory_space<semaphore_mem>>) src(%dma_wait3A_28 : memref<80xi32, #tpu.memory_space<hbm>>) dst(%arg8 : memref<80xi32, #tpu.memory_space<vmem>>)
        tpu.yield
      }) : () -> ()
      %dma_start3A = arith.constant 0 : i32
      %dma_start3A_21 = arith.constant 0 : i32
      %dma_start3A_22 = tpu.memref_slice %arg4[%dma_start3A, %dma_start3A_21] : memref<10000x128xf32, #tpu.memory_space<hbm>> -> memref<10000x128xf32, #tpu.memory_space<hbm>>
      tpu.enqueue_indirect_dma source(%dma_start3A_22 : memref<10000x128xf32, #tpu.memory_space<hbm>>) target(%arg9 : memref<80x128xf32, #tpu.memory_space<vmem>>) offsets(%arg7 : memref<80xi32, #tpu.memory_space<vmem>>) semaphore(%arg11 : memref<!tpu.dma_semaphore, #tpu.memory_space<semaphore_mem>>)
      %dma_wait3A = arith.constant 0 : i32
      %dma_wait3A_23 = arith.constant 0 : i32
      %dma_wait3A_24 = tpu.memref_slice %arg4[%dma_wait3A, %dma_wait3A_23] : memref<10000x128xf32, #tpu.memory_space<hbm>> -> memref<10000x128xf32, #tpu.memory_space<hbm>>
      tpu.wait_indirect_dma semaphore(%arg11 : memref<!tpu.dma_semaphore, #tpu.memory_space<semaphore_mem>>) src(%dma_wait3A_24 : memref<10000x128xf32, #tpu.memory_space<hbm>>) dst(%arg9 : memref<80x128xf32, #tpu.memory_space<vmem>>)
      "tpu.region"() ({
        %run_scoped3A = tpu.sem_alloc : memref<!tpu.dma_semaphore, #tpu.memory_space<semaphore_mem>>
        %dma_start3A_25 = arith.constant 0 : i32
        %dma_start3A_26 = arith.constant 0 : i32
        %dma_start3A_27 = tpu.memref_slice %arg10[%dma_start3A_25, %dma_start3A_26] : memref<10240x128xf32, #tpu.memory_space<vmem_shared>> -> memref<10240x128xf32, #tpu.memory_space<vmem_shared>>
        tpu.enqueue_indirect_dma source(%arg9 : memref<80x128xf32, #tpu.memory_space<vmem>>) target(%dma_start3A_27 : memref<10240x128xf32, #tpu.memory_space<vmem_shared>>) offsets(%arg8 : memref<80xi32, #tpu.memory_space<vmem>>) semaphore(%run_scoped3A : memref<!tpu.dma_semaphore, #tpu.memory_space<semaphore_mem>>) {add = true}
        %dma_wait3A_28 = arith.constant 0 : i32
        %dma_wait3A_29 = arith.constant 0 : i32
        %dma_wait3A_30 = tpu.memref_slice %arg10[%dma_wait3A_28, %dma_wait3A_29] : memref<10240x128xf32, #tpu.memory_space<vmem_shared>> -> memref<10240x128xf32, #tpu.memory_space<vmem_shared>>
        tpu.wait_indirect_dma semaphore(%run_scoped3A : memref<!tpu.dma_semaphore, #tpu.memory_space<semaphore_mem>>) src(%arg9 : memref<80x128xf32, #tpu.memory_space<vmem>>) dst(%dma_wait3A_30 : memref<10240x128xf32, #tpu.memory_space<vmem_shared>>)
        tpu.yield
      }) : () -> ()
    }
    %scan3A_9 = arith.constant 125 : i32
    %barrier3A_10 = arith.constant 0 : index
    tpu.barrier barrier_id(%barrier3A_10)
    %mul3A_11 = arith.constant 640 : i32
    %mul3A_12 = arith.muli %arg1, %mul3A_11 : i32
    %mul3A_13 = arith.constant 640 : i32
    %mul3A_14 = arith.muli %arg1, %mul3A_13 : i32
    "tpu.region"() ({
      %run_scoped3A = tpu.sem_alloc : memref<!tpu.dma_semaphore, #tpu.memory_space<semaphore_mem>>
      %dma_start3A = arith.constant 0 : i32
      %dma_start3A_15 = tpu.memref_slice %arg6[%arg0, %mul3A_14, %dma_start3A] : memref<2x10240x128xf32, #tpu.memory_space<hbm>> -> memref<1x640x128xf32, #tpu.memory_space<hbm>>
      %dma_start3A_16 = tpu.memref_squeeze %dma_start3A_15 : memref<1x640x128xf32, #tpu.memory_space<hbm>> -> memref<640x128xf32, #tpu.memory_space<hbm>>
      %dma_start3A_17 = arith.constant 0 : i32
      %dma_start3A_18 = tpu.memref_slice %arg10[%mul3A_12, %dma_start3A_17] : memref<10240x128xf32, #tpu.memory_space<vmem_shared>> -> memref<640x128xf32, #tpu.memory_space<vmem_shared>>
      tpu.enqueue_dma source(%dma_start3A_18 : memref<640x128xf32, #tpu.memory_space<vmem_shared>>) target(%dma_start3A_16 : memref<640x128xf32, #tpu.memory_space<hbm>>) target_semaphore(%run_scoped3A : memref<!tpu.dma_semaphore, #tpu.memory_space<semaphore_mem>>)
      %dma_wait3A = arith.constant 0 : i32
      %dma_wait3A_19 = tpu.memref_slice %arg6[%arg0, %mul3A_14, %dma_wait3A] : memref<2x10240x128xf32, #tpu.memory_space<hbm>> -> memref<1x640x128xf32, #tpu.memory_space<hbm>>
      %dma_wait3A_20 = tpu.memref_squeeze %dma_wait3A_19 : memref<1x640x128xf32, #tpu.memory_space<hbm>> -> memref<640x128xf32, #tpu.memory_space<hbm>>
      %dma_wait3A_21 = arith.constant 0 : i32
      %dma_wait3A_22 = tpu.memref_slice %arg10[%mul3A_12, %dma_wait3A_21] : memref<10240x128xf32, #tpu.memory_space<vmem_shared>> -> memref<640x128xf32, #tpu.memory_space<vmem_shared>>
      tpu.wait_dma2 semaphore(%run_scoped3A : memref<!tpu.dma_semaphore, #tpu.memory_space<semaphore_mem>>) src(%dma_wait3A_22 : memref<640x128xf32, #tpu.memory_space<vmem_shared>>) dst(%dma_wait3A_20 : memref<640x128xf32, #tpu.memory_space<hbm>>)
      tpu.yield
    }) : () -> ()
    return
  }
}

module attributes {stable_mosaic.version = 14 : i64} {
  func.func @body(%arg0: i32, %arg1: memref<2000x128xf32, #tpu.memory_space<vmem>>, %arg2: memref<256x128xf32, #tpu.memory_space<vmem>>, %arg3: memref<2000x128xf32, #tpu.memory_space<vmem>>, %arg4: memref<2000x128xf32, #tpu.memory_space<vmem>>) attributes {dimension_semantics = [#tpu.dimension_semantics<arbitrary>], iteration_bounds = array<i64: 5>, scalar_prefetch = 0 : i64, scratch_operands = 0 : i64, tpu.core_type = #tpu.core_type<tc>, window_params = [{transform_indices = @transform_0, window_bounds = array<i64: 2000, 128>}, {pipeline_mode = #tpu.pipeline_mode<synchronous>, transform_indices = @transform_1, window_bounds = array<i64: 256, 128>}, {transform_indices = @transform_2, window_bounds = array<i64: 2000, 128>}, {transform_indices = @transform_3, window_bounds = array<i64: 2000, 128>}]} {
    %get3A = arith.constant 0 : index
    %get3A_0 = arith.constant 0 : index
    %get3A_1 = vector.load %arg1[%get3A, %get3A_0] : memref<2000x128xf32, #tpu.memory_space<vmem>>, vector<2000x128xf32>
    %convert_element_type3A = arith.truncf %get3A_1 : vector<2000x128xf32> to vector<2000x128xbf16>
    %get3A_2 = arith.constant 0 : index
    %get3A_3 = arith.constant 0 : index
    %get3A_4 = vector.load %arg2[%get3A_2, %get3A_3] : memref<256x128xf32, #tpu.memory_space<vmem>>, vector<256x128xf32>
    %convert_element_type3A_5 = arith.truncf %get3A_4 : vector<256x128xf32> to vector<256x128xbf16>
    %slice3A = vector.extract_strided_slice %convert_element_type3A_5 {offsets = [0, 0], sizes = [128, 128], strides = [1, 1]} : vector<256x128xbf16> to vector<128x128xbf16>
    %dot_general3A = arith.constant dense<0.000000e+00> : vector<2000x128xf32>
    %dot_general3A_6 = tpu.matmul %convert_element_type3A, %slice3A, %dot_general3A {dimension_numbers = #tpu.dot_dimension_numbers<[1], [0], [0], [1], [0, 0, 1, 1], [], []>, transpose_lhs_hint = false} : vector<2000x128xbf16>, vector<128x128xbf16>, vector<2000x128xf32> -> vector<2000x128xf32>
    %swap3A = arith.constant 0 : index
    %swap3A_7 = arith.constant 0 : index
    %swap3A_8 = vector.load %arg3[%swap3A, %swap3A_7] : memref<2000x128xf32, #tpu.memory_space<vmem>>, vector<2000x128xf32>
    tpu.vector_store %arg3[%swap3A, %swap3A_7], %dot_general3A_6 {strides = array<i32>} : memref<2000x128xf32, #tpu.memory_space<vmem>>, vector<2000x128xf32>,
    %slice3A_9 = vector.extract_strided_slice %convert_element_type3A_5 {offsets = [128, 0], sizes = [128, 128], strides = [1, 1]} : vector<256x128xbf16> to vector<128x128xbf16>
    %dot_general3A_10 = arith.constant dense<0.000000e+00> : vector<2000x128xf32>
    %dot_general3A_11 = tpu.matmul %convert_element_type3A, %slice3A_9, %dot_general3A_10 {dimension_numbers = #tpu.dot_dimension_numbers<[1], [0], [0], [1], [0, 0, 1, 1], [], []>, transpose_lhs_hint = false} : vector<2000x128xbf16>, vector<128x128xbf16>, vector<2000x128xf32> -> vector<2000x128xf32>
    %swap3A_12 = arith.constant 0 : index
    %swap3A_13 = arith.constant 0 : index
    %swap3A_14 = vector.load %arg4[%swap3A_12, %swap3A_13] : memref<2000x128xf32, #tpu.memory_space<vmem>>, vector<2000x128xf32>
    tpu.vector_store %arg4[%swap3A_12, %swap3A_13], %dot_general3A_11 {strides = array<i32>} : memref<2000x128xf32, #tpu.memory_space<vmem>>, vector<2000x128xf32>,
    return
  }
  func.func @transform_0(%arg0: i32) -> (i32, i32) {
    %c0_i32 = arith.constant 0 : i32
    %c0_i32_0 = arith.constant 0 : i32
    return %arg0, %c0_i32 : i32, i32
  }
  func.func @transform_1(%arg0: i32) -> (i32, i32) {
    %c0_i32 = arith.constant 0 : i32
    %c0_i32_0 = arith.constant 0 : i32
    %c0_i32_1 = arith.constant 0 : i32
    return %c0_i32, %c0_i32_0 : i32, i32
  }
  func.func @transform_2(%arg0: i32) -> (i32, i32) {
    %c0_i32 = arith.constant 0 : i32
    %c0_i32_0 = arith.constant 0 : i32
    return %arg0, %c0_i32 : i32, i32
  }
  func.func @transform_3(%arg0: i32) -> (i32, i32) {
    %c0_i32 = arith.constant 0 : i32
    %c0_i32_0 = arith.constant 0 : i32
    return %arg0, %c0_i32 : i32, i32
  }
}

module attributes {stable_mosaic.version = 14 : i64} {
  func.func @body(%arg0: i32, %arg1: memref<2x2000x128xf32, #tpu.memory_space<vmem>>, %arg2: memref<2000x1xf32, #tpu.memory_space<vmem>>, %arg3: memref<2000x1xf32, #tpu.memory_space<vmem>>) attributes {dimension_semantics = [#tpu.dimension_semantics<arbitrary>], iteration_bounds = array<i64: 5>, scalar_prefetch = 0 : i64, scratch_operands = 0 : i64, tpu.core_type = #tpu.core_type<tc>, window_params = [{transform_indices = @transform_0, window_bounds = array<i64: 2, 2000, 128>}, {transform_indices = @transform_1, window_bounds = array<i64: 2000, 1>}, {transform_indices = @transform_2, window_bounds = array<i64: 2000, 1>}]} {
    %get3A = arith.constant 0 : index
    %get3A_0 = arith.constant 0 : index
    %get3A_1 = arith.constant 0 : index
    %get3A_2 = vector.load %arg1[%get3A, %get3A_0, %get3A_1] : memref<2x2000x128xf32, #tpu.memory_space<vmem>>, vector<1x2000x1xf32>
    %get3A_3 = vector.shape_cast %get3A_2 : vector<1x2000x1xf32> to vector<2000x1xf32>
    %get3A_4 = arith.constant 1 : index
    %get3A_5 = arith.constant 0 : index
    %get3A_6 = arith.constant 0 : index
    %get3A_7 = vector.load %arg1[%get3A_4, %get3A_5, %get3A_6] : memref<2x2000x128xf32, #tpu.memory_space<vmem>>, vector<1x2000x1xf32>
    %get3A_8 = vector.shape_cast %get3A_7 : vector<1x2000x1xf32> to vector<2000x1xf32>
    %add3A = arith.addf %get3A_3, %get3A_8 : vector<2000x1xf32>
    %add3A_9 = arith.constant 1.000000e+00 : f32
    %add3A_10 = vector.broadcast %add3A_9 : f32 to vector<2000x1xf32>
    %add3A_11 = arith.addf %add3A, %add3A_10 : vector<2000x1xf32>
    %div3A = arith.constant 1.000000e+00 : f32
    %div3A_12 = vector.broadcast %div3A : f32 to vector<2000x1xf32>
    %div3A_13 = arith.divf %div3A_12, %add3A_11 : vector<2000x1xf32>
    %swap3A = arith.constant 0 : index
    %swap3A_14 = arith.constant 0 : index
    %swap3A_15 = vector.load %arg3[%swap3A, %swap3A_14] : memref<2000x1xf32, #tpu.memory_space<vmem>>, vector<2000x1xf32>
    tpu.vector_store %arg3[%swap3A, %swap3A_14], %div3A_13 {strides = array<i32>} : memref<2000x1xf32, #tpu.memory_space<vmem>>, vector<2000x1xf32>,
    %rsqrt3A = math.rsqrt %add3A_11 : vector<2000x1xf32>
    %swap3A_16 = arith.constant 0 : index
    %swap3A_17 = arith.constant 0 : index
    %swap3A_18 = vector.load %arg2[%swap3A_16, %swap3A_17] : memref<2000x1xf32, #tpu.memory_space<vmem>>, vector<2000x1xf32>
    tpu.vector_store %arg2[%swap3A_16, %swap3A_17], %rsqrt3A {strides = array<i32>} : memref<2000x1xf32, #tpu.memory_space<vmem>>, vector<2000x1xf32>,
    return
  }
  func.func @transform_0(%arg0: i32) -> (i32, i32, i32) {
    %c0_i32 = arith.constant 0 : i32
    %c0_i32_0 = arith.constant 0 : i32
    %c0_i32_1 = arith.constant 0 : i32
    return %c0_i32, %arg0, %c0_i32_0 : i32, i32, i32
  }
  func.func @transform_1(%arg0: i32) -> (i32, i32) {
    %c0_i32 = arith.constant 0 : i32
    %c0_i32_0 = arith.constant 0 : i32
    return %arg0, %c0_i32 : i32, i32
  }
  func.func @transform_2(%arg0: i32) -> (i32, i32) {
    %c0_i32 = arith.constant 0 : i32
    %c0_i32_0 = arith.constant 0 : i32
    return %arg0, %c0_i32 : i32, i32
  }
}

module attributes {stable_mosaic.version = 14 : i64} {
  func.func @body(%arg0: i32, %arg1: memref<2000x128xf32, #tpu.memory_space<vmem>>, %arg2: memref<2000x1xf32, #tpu.memory_space<vmem>>, %arg3: memref<2000x128xf32, #tpu.memory_space<vmem>>) attributes {dimension_semantics = [#tpu.dimension_semantics<arbitrary>], iteration_bounds = array<i64: 5>, scalar_prefetch = 0 : i64, scratch_operands = 0 : i64, tpu.core_type = #tpu.core_type<tc>, window_params = [{transform_indices = @transform_0, window_bounds = array<i64: 2000, 128>}, {transform_indices = @transform_1, window_bounds = array<i64: 2000, 1>}, {transform_indices = @transform_2, window_bounds = array<i64: 2000, 128>}]} {
    %get3A = arith.constant 0 : index
    %get3A_0 = arith.constant 0 : index
    %get3A_1 = vector.load %arg1[%get3A, %get3A_0] : memref<2000x128xf32, #tpu.memory_space<vmem>>, vector<2000x128xf32>
    %get3A_2 = arith.constant 0 : index
    %get3A_3 = arith.constant 0 : index
    %get3A_4 = vector.load %arg2[%get3A_2, %get3A_3] : memref<2000x1xf32, #tpu.memory_space<vmem>>, vector<2000x1xf32>
    %mul3A = vector.broadcast %get3A_4 : vector<2000x1xf32> to vector<2000x128xf32>
    %mul3A_5 = arith.mulf %get3A_1, %mul3A : vector<2000x128xf32>
    %swap3A = arith.constant 0 : index
    %swap3A_6 = arith.constant 0 : index
    %swap3A_7 = vector.load %arg3[%swap3A, %swap3A_6] : memref<2000x128xf32, #tpu.memory_space<vmem>>, vector<2000x128xf32>
    tpu.vector_store %arg3[%swap3A, %swap3A_6], %mul3A_5 {strides = array<i32>} : memref<2000x128xf32, #tpu.memory_space<vmem>>, vector<2000x128xf32>,
    return
  }
  func.func @transform_0(%arg0: i32) -> (i32, i32) {
    %c0_i32 = arith.constant 0 : i32
    %c0_i32_0 = arith.constant 0 : i32
    return %arg0, %c0_i32 : i32, i32
  }
  func.func @transform_1(%arg0: i32) -> (i32, i32) {
    %c0_i32 = arith.constant 0 : i32
    %c0_i32_0 = arith.constant 0 : i32
    return %arg0, %c0_i32 : i32, i32
  }
  func.func @transform_2(%arg0: i32) -> (i32, i32) {
    %c0_i32 = arith.constant 0 : i32
    %c0_i32_0 = arith.constant 0 : i32
    return %arg0, %c0_i32 : i32, i32
  }
}

module attributes {stable_mosaic.version = 14 : i64} {
  func.func @body(%arg0: i32, %arg1: memref<2000x128xf32, #tpu.memory_space<vmem>>, %arg2: memref<1x128xf32, #tpu.memory_space<vmem>>, %arg3: memref<1x128xf32, #tpu.memory_space<vmem>>, %arg4: memref<1x128xf32, #tpu.memory_space<vmem>>) attributes {dimension_semantics = [#tpu.dimension_semantics<arbitrary>], iteration_bounds = array<i64: 155>, scalar_prefetch = 0 : i64, scratch_operands = 0 : i64, tpu.core_type = #tpu.core_type<tc>, window_params = [{transform_indices = @transform_0, window_bounds = array<i64: 2000, 128>}, {pipeline_mode = #tpu.pipeline_mode<synchronous>, transform_indices = @transform_1, window_bounds = array<i64: 1, 128>}, {pipeline_mode = #tpu.pipeline_mode<synchronous>, transform_indices = @transform_2, window_bounds = array<i64: 1, 128>}, {pipeline_mode = #tpu.pipeline_mode<synchronous>, transform_indices = @transform_3, window_bounds = array<i64: 1, 128>}]} {
    %get3A = arith.constant 0 : index
    %get3A_0 = arith.constant 0 : index
    %get3A_1 = vector.load %arg1[%get3A, %get3A_0] : memref<2000x128xf32, #tpu.memory_space<vmem>>, vector<2000x128xf32>
    %get3A_2 = arith.constant 0 : index
    %get3A_3 = arith.constant 0 : index
    %get3A_4 = vector.load %arg2[%get3A_2, %get3A_3] : memref<1x128xf32, #tpu.memory_space<vmem>>, vector<1x128xf32>
    %add3A = vector.broadcast %get3A_4 : vector<1x128xf32> to vector<2000x128xf32>
    %add3A_5 = arith.addf %get3A_1, %add3A : vector<2000x128xf32>
    %eq3A = arith.constant 0 : i32
    %eq3A_6 = arith.cmpi eq, %arg0, %eq3A : i32
    %convert_element_type3A = arith.extui %eq3A_6 : i1 to i32
    %cond3A = arith.constant 0 : i32
    %cond3A_7 = arith.cmpi ne, %convert_element_type3A, %cond3A : i32
    scf.if %cond3A_7 {
      %broadcast_in_dim3A_25 = arith.constant 0.000000e+00 : f32
      %broadcast_in_dim3A_26 = vector.broadcast %broadcast_in_dim3A_25 : f32 to vector<1x128xf32>
      %swap3A_27 = arith.constant 0 : index
      %swap3A_28 = arith.constant 0 : index
      %swap3A_29 = vector.load %arg3[%swap3A_27, %swap3A_28] : memref<1x128xf32, #tpu.memory_space<vmem>>, vector<1x128xf32>
      tpu.vector_store %arg3[%swap3A_27, %swap3A_28], %broadcast_in_dim3A_26 {strides = array<i32>} : memref<1x128xf32, #tpu.memory_space<vmem>>, vector<1x128xf32>,
      %broadcast_in_dim3A_30 = arith.constant 0.000000e+00 : f32
      %broadcast_in_dim3A_31 = vector.broadcast %broadcast_in_dim3A_30 : f32 to vector<1x128xf32>
      %swap3A_32 = arith.constant 0 : index
      %swap3A_33 = arith.constant 0 : index
      %swap3A_34 = vector.load %arg4[%swap3A_32, %swap3A_33] : memref<1x128xf32, #tpu.memory_space<vmem>>, vector<1x128xf32>
      tpu.vector_store %arg4[%swap3A_32, %swap3A_33], %broadcast_in_dim3A_31 {strides = array<i32>} : memref<1x128xf32, #tpu.memory_space<vmem>>, vector<1x128xf32>,
    } else {
    }
    %get3A_8 = arith.constant 0 : index
    %get3A_9 = arith.constant 0 : index
    %get3A_10 = vector.load %arg3[%get3A_8, %get3A_9] : memref<1x128xf32, #tpu.memory_space<vmem>>, vector<1x128xf32>
    %reduce_sum3A = arith.constant dense<0.000000e+00> : vector<128xf32>
    %reduce_sum3A_11 = vector.multi_reduction <add>, %add3A_5, %reduce_sum3A [0] : vector<2000x128xf32> to vector<128xf32>
    %broadcast_in_dim3A = vector.shape_cast %reduce_sum3A_11 : vector<128xf32> to vector<1x128xf32>
    %add3A_12 = arith.addf %get3A_10, %broadcast_in_dim3A : vector<1x128xf32>
    %swap3A = arith.constant 0 : index
    %swap3A_13 = arith.constant 0 : index
    %swap3A_14 = vector.load %arg3[%swap3A, %swap3A_13] : memref<1x128xf32, #tpu.memory_space<vmem>>, vector<1x128xf32>
    tpu.vector_store %arg3[%swap3A, %swap3A_13], %add3A_12 {strides = array<i32>} : memref<1x128xf32, #tpu.memory_space<vmem>>, vector<1x128xf32>,
    %get3A_15 = arith.constant 0 : index
    %get3A_16 = arith.constant 0 : index
    %get3A_17 = vector.load %arg4[%get3A_15, %get3A_16] : memref<1x128xf32, #tpu.memory_space<vmem>>, vector<1x128xf32>
    %mul3A = arith.mulf %add3A_5, %add3A_5 : vector<2000x128xf32>
    %reduce_sum3A_18 = arith.constant dense<0.000000e+00> : vector<128xf32>
    %reduce_sum3A_19 = vector.multi_reduction <add>, %mul3A, %reduce_sum3A_18 [0] : vector<2000x128xf32> to vector<128xf32>
    %broadcast_in_dim3A_20 = vector.shape_cast %reduce_sum3A_19 : vector<128xf32> to vector<1x128xf32>
    %add3A_21 = arith.addf %get3A_17, %broadcast_in_dim3A_20 : vector<1x128xf32>
    %swap3A_22 = arith.constant 0 : index
    %swap3A_23 = arith.constant 0 : index
    %swap3A_24 = vector.load %arg4[%swap3A_22, %swap3A_23] : memref<1x128xf32, #tpu.memory_space<vmem>>, vector<1x128xf32>
    tpu.vector_store %arg4[%swap3A_22, %swap3A_23], %add3A_21 {strides = array<i32>} : memref<1x128xf32, #tpu.memory_space<vmem>>, vector<1x128xf32>,
    return
  }
  func.func @transform_0(%arg0: i32) -> (i32, i32) {
    %add3A = arith.constant 5 : i32
    %add3A_0 = arith.addi %arg0, %add3A : i32
    %c0_i32 = arith.constant 0 : i32
    %c0_i32_1 = arith.constant 0 : i32
    return %add3A_0, %c0_i32 : i32, i32
  }
  func.func @transform_1(%arg0: i32) -> (i32, i32) {
    %c0_i32 = arith.constant 0 : i32
    %c0_i32_0 = arith.constant 0 : i32
    %c0_i32_1 = arith.constant 0 : i32
    return %c0_i32, %c0_i32_0 : i32, i32
  }
  func.func @transform_2(%arg0: i32) -> (i32, i32) {
    %c0_i32 = arith.constant 0 : i32
    %c0_i32_0 = arith.constant 0 : i32
    %c0_i32_1 = arith.constant 0 : i32
    return %c0_i32, %c0_i32_0 : i32, i32
  }
  func.func @transform_3(%arg0: i32) -> (i32, i32) {
    %c0_i32 = arith.constant 0 : i32
    %c0_i32_0 = arith.constant 0 : i32
    %c0_i32_1 = arith.constant 0 : i32
    return %c0_i32, %c0_i32_0 : i32, i32
  }
}

module attributes {stable_mosaic.version = 14 : i64} {
  func.func @body(%arg0: i32, %arg1: memref<2000x128xf32, #tpu.memory_space<vmem>>, %arg2: memref<2x2000x128xf32, #tpu.memory_space<vmem>>, %arg3: memref<2000x1xf32, #tpu.memory_space<vmem>>, %arg4: memref<2000x1xf32, #tpu.memory_space<vmem>>, %arg5: memref<1x128xf32, #tpu.memory_space<vmem>>, %arg6: memref<2000x128xf32, #tpu.memory_space<vmem>>, %arg7: memref<1x128xf32, #tpu.memory_space<vmem>>, %arg8: memref<1x128xf32, #tpu.memory_space<vmem>>) attributes {dimension_semantics = [#tpu.dimension_semantics<arbitrary>], iteration_bounds = array<i64: 5>, scalar_prefetch = 0 : i64, scratch_operands = 0 : i64, tpu.core_type = #tpu.core_type<tc>, window_params = [{transform_indices = @transform_0, window_bounds = array<i64: 2000, 128>}, {transform_indices = @transform_1, window_bounds = array<i64: 2, 2000, 128>}, {transform_indices = @transform_2, window_bounds = array<i64: 2000, 1>}, {transform_indices = @transform_3, window_bounds = array<i64: 2000, 1>}, {pipeline_mode = #tpu.pipeline_mode<synchronous>, transform_indices = @transform_4, window_bounds = array<i64: 1, 128>}, {transform_indices = @transform_5, window_bounds = array<i64: 2000, 128>}, {pipeline_mode = #tpu.pipeline_mode<synchronous>, transform_indices = @transform_6, window_bounds = array<i64: 1, 128>}, {pipeline_mode = #tpu.pipeline_mode<synchronous>, transform_indices = @transform_7, window_bounds = array<i64: 1, 128>}]} {
    %get3A = arith.constant 0 : index
    %get3A_0 = arith.constant 0 : index
    %get3A_1 = vector.load %arg1[%get3A, %get3A_0] : memref<2000x128xf32, #tpu.memory_space<vmem>>, vector<2000x128xf32>
    %get3A_2 = arith.constant 0 : index
    %get3A_3 = arith.constant 0 : index
    %get3A_4 = vector.load %arg4[%get3A_2, %get3A_3] : memref<2000x1xf32, #tpu.memory_space<vmem>>, vector<2000x1xf32>
    %mul3A = vector.broadcast %get3A_4 : vector<2000x1xf32> to vector<2000x128xf32>
    %mul3A_5 = arith.mulf %get3A_1, %mul3A : vector<2000x128xf32>
    %get3A_6 = arith.constant 0 : index
    %get3A_7 = arith.constant 0 : index
    %get3A_8 = vector.load %arg3[%get3A_6, %get3A_7] : memref<2000x1xf32, #tpu.memory_space<vmem>>, vector<2000x1xf32>
    %get3A_9 = arith.constant 0 : index
    %get3A_10 = arith.constant 0 : index
    %get3A_11 = arith.constant 0 : index
    %get3A_12 = vector.load %arg2[%get3A_9, %get3A_10, %get3A_11] : memref<2x2000x128xf32, #tpu.memory_space<vmem>>, vector<1x2000x128xf32>
    %get3A_13 = vector.shape_cast %get3A_12 : vector<1x2000x128xf32> to vector<2000x128xf32>
    %get3A_14 = arith.constant 1 : index
    %get3A_15 = arith.constant 0 : index
    %get3A_16 = arith.constant 0 : index
    %get3A_17 = vector.load %arg2[%get3A_14, %get3A_15, %get3A_16] : memref<2x2000x128xf32, #tpu.memory_space<vmem>>, vector<1x2000x128xf32>
    %get3A_18 = vector.shape_cast %get3A_17 : vector<1x2000x128xf32> to vector<2000x128xf32>
    %add3A = arith.addf %get3A_13, %get3A_18 : vector<2000x128xf32>
    %mul3A_19 = vector.broadcast %get3A_8 : vector<2000x1xf32> to vector<2000x128xf32>
    %mul3A_20 = arith.mulf %mul3A_19, %add3A : vector<2000x128xf32>
    %add3A_21 = arith.addf %mul3A_5, %mul3A_20 : vector<2000x128xf32>
    %get3A_22 = arith.constant 0 : index
    %get3A_23 = arith.constant 0 : index
    %get3A_24 = vector.load %arg5[%get3A_22, %get3A_23] : memref<1x128xf32, #tpu.memory_space<vmem>>, vector<1x128xf32>
    %add3A_25 = vector.broadcast %get3A_24 : vector<1x128xf32> to vector<2000x128xf32>
    %add3A_26 = arith.addf %add3A_21, %add3A_25 : vector<2000x128xf32>
    %swap3A = arith.constant 0 : index
    %swap3A_27 = arith.constant 0 : index
    %swap3A_28 = vector.load %arg6[%swap3A, %swap3A_27] : memref<2000x128xf32, #tpu.memory_space<vmem>>, vector<2000x128xf32>
    tpu.vector_store %arg6[%swap3A, %swap3A_27], %add3A_26 {strides = array<i32>} : memref<2000x128xf32, #tpu.memory_space<vmem>>, vector<2000x128xf32>,
    %eq3A = arith.constant 0 : i32
    %eq3A_29 = arith.cmpi eq, %arg0, %eq3A : i32
    %convert_element_type3A = arith.extui %eq3A_29 : i1 to i32
    %cond3A = arith.constant 0 : i32
    %cond3A_30 = arith.cmpi ne, %convert_element_type3A, %cond3A : i32
    scf.if %cond3A_30 {
      %broadcast_in_dim3A_50 = arith.constant 0.000000e+00 : f32
      %broadcast_in_dim3A_51 = vector.broadcast %broadcast_in_dim3A_50 : f32 to vector<1x128xf32>
      %swap3A_52 = arith.constant 0 : index
      %swap3A_53 = arith.constant 0 : index
      %swap3A_54 = vector.load %arg7[%swap3A_52, %swap3A_53] : memref<1x128xf32, #tpu.memory_space<vmem>>, vector<1x128xf32>
      tpu.vector_store %arg7[%swap3A_52, %swap3A_53], %broadcast_in_dim3A_51 {strides = array<i32>} : memref<1x128xf32, #tpu.memory_space<vmem>>, vector<1x128xf32>,
      %broadcast_in_dim3A_55 = arith.constant 0.000000e+00 : f32
      %broadcast_in_dim3A_56 = vector.broadcast %broadcast_in_dim3A_55 : f32 to vector<1x128xf32>
      %swap3A_57 = arith.constant 0 : index
      %swap3A_58 = arith.constant 0 : index
      %swap3A_59 = vector.load %arg8[%swap3A_57, %swap3A_58] : memref<1x128xf32, #tpu.memory_space<vmem>>, vector<1x128xf32>
      tpu.vector_store %arg8[%swap3A_57, %swap3A_58], %broadcast_in_dim3A_56 {strides = array<i32>} : memref<1x128xf32, #tpu.memory_space<vmem>>, vector<1x128xf32>,
    } else {
    }
    %get3A_31 = arith.constant 0 : index
    %get3A_32 = arith.constant 0 : index
    %get3A_33 = vector.load %arg7[%get3A_31, %get3A_32] : memref<1x128xf32, #tpu.memory_space<vmem>>, vector<1x128xf32>
    %reduce_sum3A = arith.constant dense<0.000000e+00> : vector<128xf32>
    %reduce_sum3A_34 = vector.multi_reduction <add>, %add3A_26, %reduce_sum3A [0] : vector<2000x128xf32> to vector<128xf32>
    %broadcast_in_dim3A = vector.shape_cast %reduce_sum3A_34 : vector<128xf32> to vector<1x128xf32>
    %add3A_35 = arith.addf %get3A_33, %broadcast_in_dim3A : vector<1x128xf32>
    %swap3A_36 = arith.constant 0 : index
    %swap3A_37 = arith.constant 0 : index
    %swap3A_38 = vector.load %arg7[%swap3A_36, %swap3A_37] : memref<1x128xf32, #tpu.memory_space<vmem>>, vector<1x128xf32>
    tpu.vector_store %arg7[%swap3A_36, %swap3A_37], %add3A_35 {strides = array<i32>} : memref<1x128xf32, #tpu.memory_space<vmem>>, vector<1x128xf32>,
    %get3A_39 = arith.constant 0 : index
    %get3A_40 = arith.constant 0 : index
    %get3A_41 = vector.load %arg8[%get3A_39, %get3A_40] : memref<1x128xf32, #tpu.memory_space<vmem>>, vector<1x128xf32>
    %mul3A_42 = arith.mulf %add3A_26, %add3A_26 : vector<2000x128xf32>
    %reduce_sum3A_43 = arith.constant dense<0.000000e+00> : vector<128xf32>
    %reduce_sum3A_44 = vector.multi_reduction <add>, %mul3A_42, %reduce_sum3A_43 [0] : vector<2000x128xf32> to vector<128xf32>
    %broadcast_in_dim3A_45 = vector.shape_cast %reduce_sum3A_44 : vector<128xf32> to vector<1x128xf32>
    %add3A_46 = arith.addf %get3A_41, %broadcast_in_dim3A_45 : vector<1x128xf32>
    %swap3A_47 = arith.constant 0 : index
    %swap3A_48 = arith.constant 0 : index
    %swap3A_49 = vector.load %arg8[%swap3A_47, %swap3A_48] : memref<1x128xf32, #tpu.memory_space<vmem>>, vector<1x128xf32>
    tpu.vector_store %arg8[%swap3A_47, %swap3A_48], %add3A_46 {strides = array<i32>} : memref<1x128xf32, #tpu.memory_space<vmem>>, vector<1x128xf32>,
    return
  }
  func.func @transform_0(%arg0: i32) -> (i32, i32) {
    %c0_i32 = arith.constant 0 : i32
    %c0_i32_0 = arith.constant 0 : i32
    return %arg0, %c0_i32 : i32, i32
  }
  func.func @transform_1(%arg0: i32) -> (i32, i32, i32) {
    %c0_i32 = arith.constant 0 : i32
    %c0_i32_0 = arith.constant 0 : i32
    %c0_i32_1 = arith.constant 0 : i32
    return %c0_i32, %arg0, %c0_i32_0 : i32, i32, i32
  }
  func.func @transform_2(%arg0: i32) -> (i32, i32) {
    %c0_i32 = arith.constant 0 : i32
    %c0_i32_0 = arith.constant 0 : i32
    return %arg0, %c0_i32 : i32, i32
  }
  func.func @transform_3(%arg0: i32) -> (i32, i32) {
    %c0_i32 = arith.constant 0 : i32
    %c0_i32_0 = arith.constant 0 : i32
    return %arg0, %c0_i32 : i32, i32
  }
  func.func @transform_4(%arg0: i32) -> (i32, i32) {
    %c0_i32 = arith.constant 0 : i32
    %c0_i32_0 = arith.constant 0 : i32
    %c0_i32_1 = arith.constant 0 : i32
    return %c0_i32, %c0_i32_0 : i32, i32
  }
  func.func @transform_5(%arg0: i32) -> (i32, i32) {
    %c0_i32 = arith.constant 0 : i32
    %c0_i32_0 = arith.constant 0 : i32
    return %arg0, %c0_i32 : i32, i32
  }
  func.func @transform_6(%arg0: i32) -> (i32, i32) {
    %c0_i32 = arith.constant 0 : i32
    %c0_i32_0 = arith.constant 0 : i32
    %c0_i32_1 = arith.constant 0 : i32
    return %c0_i32, %c0_i32_0 : i32, i32
  }
  func.func @transform_7(%arg0: i32) -> (i32, i32) {
    %c0_i32 = arith.constant 0 : i32
    %c0_i32_0 = arith.constant 0 : i32
    %c0_i32_1 = arith.constant 0 : i32
    return %c0_i32, %c0_i32_0 : i32, i32
  }
}

module attributes {stable_mosaic.version = 14 : i64} {
  func.func @body(%arg0: memref<1x128xf32, #tpu.memory_space<vmem>>, %arg1: memref<1x128xf32, #tpu.memory_space<vmem>>, %arg2: memref<1x128xf32, #tpu.memory_space<vmem>>, %arg3: memref<1x128xf32, #tpu.memory_space<vmem>>, %arg4: memref<1x128xf32, #tpu.memory_space<vmem>>, %arg5: memref<1x128xf32, #tpu.memory_space<vmem>>) attributes {dimension_semantics = [], scalar_prefetch = 0 : i64, scratch_operands = 0 : i64, tpu.core_type = #tpu.core_type<tc>} {
    %get3A = arith.constant 0 : index
    %get3A_0 = arith.constant 0 : index
    %get3A_1 = vector.load %arg0[%get3A, %get3A_0] : memref<1x128xf32, #tpu.memory_space<vmem>>, vector<1x128xf32>
    %get3A_2 = arith.constant 0 : index
    %get3A_3 = arith.constant 0 : index
    %get3A_4 = vector.load %arg2[%get3A_2, %get3A_3] : memref<1x128xf32, #tpu.memory_space<vmem>>, vector<1x128xf32>
    %add3A = arith.addf %get3A_1, %get3A_4 : vector<1x128xf32>
    %mul3A = arith.constant 3.125000e-06 : f32
    %mul3A_5 = vector.broadcast %mul3A : f32 to vector<1x128xf32>
    %mul3A_6 = arith.mulf %add3A, %mul3A_5 : vector<1x128xf32>
    %get3A_7 = arith.constant 0 : index
    %get3A_8 = arith.constant 0 : index
    %get3A_9 = vector.load %arg1[%get3A_7, %get3A_8] : memref<1x128xf32, #tpu.memory_space<vmem>>, vector<1x128xf32>
    %get3A_10 = arith.constant 0 : index
    %get3A_11 = arith.constant 0 : index
    %get3A_12 = vector.load %arg3[%get3A_10, %get3A_11] : memref<1x128xf32, #tpu.memory_space<vmem>>, vector<1x128xf32>
    %add3A_13 = arith.addf %get3A_9, %get3A_12 : vector<1x128xf32>
    %mul3A_14 = arith.constant 3.125000e-06 : f32
    %mul3A_15 = vector.broadcast %mul3A_14 : f32 to vector<1x128xf32>
    %mul3A_16 = arith.mulf %add3A_13, %mul3A_15 : vector<1x128xf32>
    %mul3A_17 = arith.mulf %mul3A_6, %mul3A_6 : vector<1x128xf32>
    %sub3A = arith.subf %mul3A_16, %mul3A_17 : vector<1x128xf32>
    %swap3A = arith.constant 0 : index
    %swap3A_18 = arith.constant 0 : index
    %swap3A_19 = vector.load %arg4[%swap3A, %swap3A_18] : memref<1x128xf32, #tpu.memory_space<vmem>>, vector<1x128xf32>
    tpu.vector_store %arg4[%swap3A, %swap3A_18], %mul3A_6 {strides = array<i32>} : memref<1x128xf32, #tpu.memory_space<vmem>>, vector<1x128xf32>,
    %add3A_20 = arith.constant 9.99999974E-6 : f32
    %add3A_21 = vector.broadcast %add3A_20 : f32 to vector<1x128xf32>
    %add3A_22 = arith.addf %sub3A, %add3A_21 : vector<1x128xf32>
    %sqrt3A = math.sqrt %add3A_22 : vector<1x128xf32>
    %swap3A_23 = arith.constant 0 : index
    %swap3A_24 = arith.constant 0 : index
    %swap3A_25 = vector.load %arg5[%swap3A_23, %swap3A_24] : memref<1x128xf32, #tpu.memory_space<vmem>>, vector<1x128xf32>
    tpu.vector_store %arg5[%swap3A_23, %swap3A_24], %sqrt3A {strides = array<i32>} : memref<1x128xf32, #tpu.memory_space<vmem>>, vector<1x128xf32>,
    return
  }
}

module attributes {stable_mosaic.version = 14 : i64} {
  func.func @body(%arg0: i32, %arg1: memref<2000x128xf32, #tpu.memory_space<vmem>>, %arg2: memref<1x128xf32, #tpu.memory_space<vmem>>, %arg3: memref<1x128xf32, #tpu.memory_space<vmem>>, %arg4: memref<1x128xf32, #tpu.memory_space<vmem>>, %arg5: memref<1x128xf32, #tpu.memory_space<vmem>>, %arg6: memref<128x128xf32, #tpu.memory_space<vmem>>, %arg7: memref<2000x1xf32, #tpu.memory_space<vmem>>, %arg8: memref<2000x128xf32, #tpu.memory_space<vmem>>, %arg9: memref<2000x128xf32, #tpu.memory_space<vmem>>) attributes {dimension_semantics = [#tpu.dimension_semantics<arbitrary>], iteration_bounds = array<i64: 5>, scalar_prefetch = 0 : i64, scratch_operands = 0 : i64, tpu.core_type = #tpu.core_type<tc>, window_params = [{transform_indices = @transform_0, window_bounds = array<i64: 2000, 128>}, {pipeline_mode = #tpu.pipeline_mode<synchronous>, transform_indices = @transform_1, window_bounds = array<i64: 1, 128>}, {pipeline_mode = #tpu.pipeline_mode<synchronous>, transform_indices = @transform_2, window_bounds = array<i64: 1, 128>}, {pipeline_mode = #tpu.pipeline_mode<synchronous>, transform_indices = @transform_3, window_bounds = array<i64: 1, 128>}, {pipeline_mode = #tpu.pipeline_mode<synchronous>, transform_indices = @transform_4, window_bounds = array<i64: 1, 128>}, {pipeline_mode = #tpu.pipeline_mode<synchronous>, transform_indices = @transform_5, window_bounds = array<i64: 128, 128>}, {transform_indices = @transform_6, window_bounds = array<i64: 2000, 1>}, {transform_indices = @transform_7, window_bounds = array<i64: 2000, 128>}, {transform_indices = @transform_8, window_bounds = array<i64: 2000, 128>}]} {
    %get3A = arith.constant 0 : index
    %get3A_0 = arith.constant 0 : index
    %get3A_1 = vector.load %arg1[%get3A, %get3A_0] : memref<2000x128xf32, #tpu.memory_space<vmem>>, vector<2000x128xf32>
    %get3A_2 = arith.constant 0 : index
    %get3A_3 = arith.constant 0 : index
    %get3A_4 = vector.load %arg2[%get3A_2, %get3A_3] : memref<1x128xf32, #tpu.memory_space<vmem>>, vector<1x128xf32>
    %sub3A = vector.broadcast %get3A_4 : vector<1x128xf32> to vector<2000x128xf32>
    %sub3A_5 = arith.subf %get3A_1, %sub3A : vector<2000x128xf32>
    %get3A_6 = arith.constant 0 : index
    %get3A_7 = arith.constant 0 : index
    %get3A_8 = vector.load %arg3[%get3A_6, %get3A_7] : memref<1x128xf32, #tpu.memory_space<vmem>>, vector<1x128xf32>
    %div3A = vector.broadcast %get3A_8 : vector<1x128xf32> to vector<2000x128xf32>
    %div3A_9 = arith.divf %sub3A_5, %div3A : vector<2000x128xf32>
    %get3A_10 = arith.constant 0 : index
    %get3A_11 = arith.constant 0 : index
    %get3A_12 = vector.load %arg4[%get3A_10, %get3A_11] : memref<1x128xf32, #tpu.memory_space<vmem>>, vector<1x128xf32>
    %mul3A = vector.broadcast %get3A_12 : vector<1x128xf32> to vector<2000x128xf32>
    %mul3A_13 = arith.mulf %div3A_9, %mul3A : vector<2000x128xf32>
    %get3A_14 = arith.constant 0 : index
    %get3A_15 = arith.constant 0 : index
    %get3A_16 = vector.load %arg5[%get3A_14, %get3A_15] : memref<1x128xf32, #tpu.memory_space<vmem>>, vector<1x128xf32>
    %add3A = vector.broadcast %get3A_16 : vector<1x128xf32> to vector<2000x128xf32>
    %add3A_17 = arith.addf %mul3A_13, %add3A : vector<2000x128xf32>
    %max3A = arith.constant 0.000000e+00 : f32
    %max3A_18 = vector.broadcast %max3A : f32 to vector<2000x128xf32>
    %max3A_19 = arith.maximumf %add3A_17, %max3A_18 : vector<2000x128xf32>
    %convert_element_type3A = arith.truncf %max3A_19 : vector<2000x128xf32> to vector<2000x128xbf16>
    %get3A_20 = arith.constant 0 : index
    %get3A_21 = arith.constant 0 : index
    %get3A_22 = vector.load %arg6[%get3A_20, %get3A_21] : memref<128x128xf32, #tpu.memory_space<vmem>>, vector<128x128xf32>
    %convert_element_type3A_23 = arith.truncf %get3A_22 : vector<128x128xf32> to vector<128x128xbf16>
    %dot_general3A = arith.constant dense<0.000000e+00> : vector<2000x128xf32>
    %dot_general3A_24 = tpu.matmul %convert_element_type3A, %convert_element_type3A_23, %dot_general3A {dimension_numbers = #tpu.dot_dimension_numbers<[1], [0], [0], [1], [0, 0, 1, 1], [], []>, transpose_lhs_hint = false} : vector<2000x128xbf16>, vector<128x128xbf16>, vector<2000x128xf32> -> vector<2000x128xf32>
    %swap3A = arith.constant 0 : index
    %swap3A_25 = arith.constant 0 : index
    %swap3A_26 = vector.load %arg8[%swap3A, %swap3A_25] : memref<2000x128xf32, #tpu.memory_space<vmem>>, vector<2000x128xf32>
    tpu.vector_store %arg8[%swap3A, %swap3A_25], %dot_general3A_24 {strides = array<i32>} : memref<2000x128xf32, #tpu.memory_space<vmem>>, vector<2000x128xf32>,
    %get3A_27 = arith.constant 0 : index
    %get3A_28 = arith.constant 0 : index
    %get3A_29 = vector.load %arg7[%get3A_27, %get3A_28] : memref<2000x1xf32, #tpu.memory_space<vmem>>, vector<2000x1xf32>
    %mul3A_30 = vector.broadcast %get3A_29 : vector<2000x1xf32> to vector<2000x128xf32>
    %mul3A_31 = arith.mulf %dot_general3A_24, %mul3A_30 : vector<2000x128xf32>
    %swap3A_32 = arith.constant 0 : index
    %swap3A_33 = arith.constant 0 : index
    %swap3A_34 = vector.load %arg9[%swap3A_32, %swap3A_33] : memref<2000x128xf32, #tpu.memory_space<vmem>>, vector<2000x128xf32>
    tpu.vector_store %arg9[%swap3A_32, %swap3A_33], %mul3A_31 {strides = array<i32>} : memref<2000x128xf32, #tpu.memory_space<vmem>>, vector<2000x128xf32>,
    return
  }
  func.func @transform_0(%arg0: i32) -> (i32, i32) {
    %c0_i32 = arith.constant 0 : i32
    %c0_i32_0 = arith.constant 0 : i32
    return %arg0, %c0_i32 : i32, i32
  }
  func.func @transform_1(%arg0: i32) -> (i32, i32) {
    %c0_i32 = arith.constant 0 : i32
    %c0_i32_0 = arith.constant 0 : i32
    %c0_i32_1 = arith.constant 0 : i32
    return %c0_i32, %c0_i32_0 : i32, i32
  }
  func.func @transform_2(%arg0: i32) -> (i32, i32) {
    %c0_i32 = arith.constant 0 : i32
    %c0_i32_0 = arith.constant 0 : i32
    %c0_i32_1 = arith.constant 0 : i32
    return %c0_i32, %c0_i32_0 : i32, i32
  }
  func.func @transform_3(%arg0: i32) -> (i32, i32) {
    %c0_i32 = arith.constant 0 : i32
    %c0_i32_0 = arith.constant 0 : i32
    %c0_i32_1 = arith.constant 0 : i32
    return %c0_i32, %c0_i32_0 : i32, i32
  }
  func.func @transform_4(%arg0: i32) -> (i32, i32) {
    %c0_i32 = arith.constant 0 : i32
    %c0_i32_0 = arith.constant 0 : i32
    %c0_i32_1 = arith.constant 0 : i32
    return %c0_i32, %c0_i32_0 : i32, i32
  }
  func.func @transform_5(%arg0: i32) -> (i32, i32) {
    %c0_i32 = arith.constant 0 : i32
    %c0_i32_0 = arith.constant 0 : i32
    %c0_i32_1 = arith.constant 0 : i32
    return %c0_i32, %c0_i32_0 : i32, i32
  }
  func.func @transform_6(%arg0: i32) -> (i32, i32) {
    %c0_i32 = arith.constant 0 : i32
    %c0_i32_0 = arith.constant 0 : i32
    return %arg0, %c0_i32 : i32, i32
  }
  func.func @transform_7(%arg0: i32) -> (i32, i32) {
    %c0_i32 = arith.constant 0 : i32
    %c0_i32_0 = arith.constant 0 : i32
    return %arg0, %c0_i32 : i32, i32
  }
  func.func @transform_8(%arg0: i32) -> (i32, i32) {
    %c0_i32 = arith.constant 0 : i32
    %c0_i32_0 = arith.constant 0 : i32
    return %arg0, %c0_i32 : i32, i32
  }
}

module attributes {stable_mosaic.version = 14 : i64} {
  func.func @body(%arg0: i32, %arg1: memref<2000x128xf32, #tpu.memory_space<vmem>>, %arg2: memref<1x128xf32, #tpu.memory_space<vmem>>, %arg3: memref<1x128xf32, #tpu.memory_space<vmem>>, %arg4: memref<1x128xf32, #tpu.memory_space<vmem>>, %arg5: memref<1x128xf32, #tpu.memory_space<vmem>>, %arg6: memref<1x128xf32, #tpu.memory_space<vmem>>, %arg7: memref<128x128xf32, #tpu.memory_space<vmem>>, %arg8: memref<1x128xf32, #tpu.memory_space<vmem>>, %arg9: memref<128x128xf32, #tpu.memory_space<vmem>>, %arg10: memref<1x128xf32, #tpu.memory_space<vmem>>, %arg11: memref<1x1xf32, #tpu.memory_space<vmem>>, %arg12: memref<2000x128xf32, #tpu.memory_space<vmem>>, %arg13: memref<2000x128xf32, #tpu.memory_space<vmem>>) attributes {dimension_semantics = [#tpu.dimension_semantics<arbitrary>], iteration_bounds = array<i64: 155>, scalar_prefetch = 0 : i64, scratch_operands = 0 : i64, tpu.core_type = #tpu.core_type<tc>, window_params = [{transform_indices = @transform_0, window_bounds = array<i64: 2000, 128>}, {pipeline_mode = #tpu.pipeline_mode<synchronous>, transform_indices = @transform_1, window_bounds = array<i64: 1, 128>}, {pipeline_mode = #tpu.pipeline_mode<synchronous>, transform_indices = @transform_2, window_bounds = array<i64: 1, 128>}, {pipeline_mode = #tpu.pipeline_mode<synchronous>, transform_indices = @transform_3, window_bounds = array<i64: 1, 128>}, {pipeline_mode = #tpu.pipeline_mode<synchronous>, transform_indices = @transform_4, window_bounds = array<i64: 1, 128>}, {pipeline_mode = #tpu.pipeline_mode<synchronous>, transform_indices = @transform_5, window_bounds = array<i64: 1, 128>}, {pipeline_mode = #tpu.pipeline_mode<synchronous>, transform_indices = @transform_6, window_bounds = array<i64: 128, 128>}, {pipeline_mode = #tpu.pipeline_mode<synchronous>, transform_indices = @transform_7, window_bounds = array<i64: 1, 128>}, {pipeline_mode = #tpu.pipeline_mode<synchronous>, transform_indices = @transform_8, window_bounds = array<i64: 128, 128>}, {pipeline_mode = #tpu.pipeline_mode<synchronous>, transform_indices = @transform_9, window_bounds = array<i64: 1, 128>}, {pipeline_mode = #tpu.pipeline_mode<synchronous>, transform_indices = @transform_10, window_bounds = array<i64: 1, 1>}, {transform_indices = @transform_11, window_bounds = array<i64: 2000, 128>}, {transform_indices = @transform_12, window_bounds = array<i64: 2000, 128>}]} {
    %get3A = arith.constant 0 : index
    %get3A_0 = arith.constant 0 : index
    %get3A_1 = vector.load %arg1[%get3A, %get3A_0] : memref<2000x128xf32, #tpu.memory_space<vmem>>, vector<2000x128xf32>
    %get3A_2 = arith.constant 0 : index
    %get3A_3 = arith.constant 0 : index
    %get3A_4 = vector.load %arg2[%get3A_2, %get3A_3] : memref<1x128xf32, #tpu.memory_space<vmem>>, vector<1x128xf32>
    %add3A = vector.broadcast %get3A_4 : vector<1x128xf32> to vector<2000x128xf32>
    %add3A_5 = arith.addf %get3A_1, %add3A : vector<2000x128xf32>
    %get3A_6 = arith.constant 0 : index
    %get3A_7 = arith.constant 0 : index
    %get3A_8 = vector.load %arg3[%get3A_6, %get3A_7] : memref<1x128xf32, #tpu.memory_space<vmem>>, vector<1x128xf32>
    %sub3A = vector.broadcast %get3A_8 : vector<1x128xf32> to vector<2000x128xf32>
    %sub3A_9 = arith.subf %add3A_5, %sub3A : vector<2000x128xf32>
    %get3A_10 = arith.constant 0 : index
    %get3A_11 = arith.constant 0 : index
    %get3A_12 = vector.load %arg4[%get3A_10, %get3A_11] : memref<1x128xf32, #tpu.memory_space<vmem>>, vector<1x128xf32>
    %div3A = vector.broadcast %get3A_12 : vector<1x128xf32> to vector<2000x128xf32>
    %div3A_13 = arith.divf %sub3A_9, %div3A : vector<2000x128xf32>
    %get3A_14 = arith.constant 0 : index
    %get3A_15 = arith.constant 0 : index
    %get3A_16 = vector.load %arg5[%get3A_14, %get3A_15] : memref<1x128xf32, #tpu.memory_space<vmem>>, vector<1x128xf32>
    %mul3A = vector.broadcast %get3A_16 : vector<1x128xf32> to vector<2000x128xf32>
    %mul3A_17 = arith.mulf %div3A_13, %mul3A : vector<2000x128xf32>
    %get3A_18 = arith.constant 0 : index
    %get3A_19 = arith.constant 0 : index
    %get3A_20 = vector.load %arg6[%get3A_18, %get3A_19] : memref<1x128xf32, #tpu.memory_space<vmem>>, vector<1x128xf32>
    %add3A_21 = vector.broadcast %get3A_20 : vector<1x128xf32> to vector<2000x128xf32>
    %add3A_22 = arith.addf %mul3A_17, %add3A_21 : vector<2000x128xf32>
    %max3A = arith.constant 0.000000e+00 : f32
    %max3A_23 = vector.broadcast %max3A : f32 to vector<2000x128xf32>
    %max3A_24 = arith.maximumf %add3A_22, %max3A_23 : vector<2000x128xf32>
    %convert_element_type3A = arith.truncf %max3A_24 : vector<2000x128xf32> to vector<2000x128xbf16>
    %get3A_25 = arith.constant 0 : index
    %get3A_26 = arith.constant 0 : index
    %get3A_27 = vector.load %arg7[%get3A_25, %get3A_26] : memref<128x128xf32, #tpu.memory_space<vmem>>, vector<128x128xf32>
    %convert_element_type3A_28 = arith.truncf %get3A_27 : vector<128x128xf32> to vector<128x128xbf16>
    %dot_general3A = arith.constant dense<0.000000e+00> : vector<2000x128xf32>
    %dot_general3A_29 = tpu.matmul %convert_element_type3A, %convert_element_type3A_28, %dot_general3A {dimension_numbers = #tpu.dot_dimension_numbers<[1], [0], [0], [1], [0, 0, 1, 1], [], []>, transpose_lhs_hint = false} : vector<2000x128xbf16>, vector<128x128xbf16>, vector<2000x128xf32> -> vector<2000x128xf32>
    %get3A_30 = arith.constant 0 : index
    %get3A_31 = arith.constant 0 : index
    %get3A_32 = vector.load %arg8[%get3A_30, %get3A_31] : memref<1x128xf32, #tpu.memory_space<vmem>>, vector<1x128xf32>
    %add3A_33 = vector.broadcast %get3A_32 : vector<1x128xf32> to vector<2000x128xf32>
    %add3A_34 = arith.addf %dot_general3A_29, %add3A_33 : vector<2000x128xf32>
    %convert_element_type3A_35 = arith.truncf %add3A_34 : vector<2000x128xf32> to vector<2000x128xbf16>
    %get3A_36 = arith.constant 0 : index
    %get3A_37 = arith.constant 0 : index
    %get3A_38 = vector.load %arg9[%get3A_36, %get3A_37] : memref<128x128xf32, #tpu.memory_space<vmem>>, vector<128x128xf32>
    %convert_element_type3A_39 = arith.truncf %get3A_38 : vector<128x128xf32> to vector<128x128xbf16>
    %dot_general3A_40 = arith.constant dense<0.000000e+00> : vector<2000x128xf32>
    %dot_general3A_41 = tpu.matmul %convert_element_type3A_35, %convert_element_type3A_39, %dot_general3A_40 {dimension_numbers = #tpu.dot_dimension_numbers<[1], [0], [0], [1], [0, 0, 1, 1], [], []>, transpose_lhs_hint = false} : vector<2000x128xbf16>, vector<128x128xbf16>, vector<2000x128xf32> -> vector<2000x128xf32>
    %get3A_42 = arith.constant 0 : index
    %get3A_43 = arith.constant 0 : index
    %get3A_44 = vector.load %arg10[%get3A_42, %get3A_43] : memref<1x128xf32, #tpu.memory_space<vmem>>, vector<1x128xf32>
    %add3A_45 = vector.broadcast %get3A_44 : vector<1x128xf32> to vector<2000x128xf32>
    %add3A_46 = arith.addf %dot_general3A_41, %add3A_45 : vector<2000x128xf32>
    %logistic3A = arith.negf %add3A_46 : vector<2000x128xf32>
    %logistic3A_47 = math.exp %logistic3A : vector<2000x128xf32>
    %logistic3A_48 = arith.constant 1.000000e+00 : f32
    %logistic3A_49 = vector.broadcast %logistic3A_48 : f32 to vector<2000x128xf32>
    %logistic3A_50 = arith.addf %logistic3A_49, %logistic3A_47 : vector<2000x128xf32>
    %logistic3A_51 = arith.divf %logistic3A_49, %logistic3A_50 : vector<2000x128xf32>
    %swap3A = arith.constant 0 : index
    %swap3A_52 = arith.constant 0 : index
    %swap3A_53 = vector.load %arg12[%swap3A, %swap3A_52] : memref<2000x128xf32, #tpu.memory_space<vmem>>, vector<2000x128xf32>
    tpu.vector_store %arg12[%swap3A, %swap3A_52], %logistic3A_51 {strides = array<i32>} : memref<2000x128xf32, #tpu.memory_space<vmem>>, vector<2000x128xf32>,
    %get3A_54 = arith.constant 0 : index
    %get3A_55 = arith.constant 0 : index
    %get3A_56 = vector.load %arg11[%get3A_54, %get3A_55] : memref<1x1xf32, #tpu.memory_space<vmem>>, vector<1x1xf32>
    %get3A_57 = vector.extract %get3A_56[0, 0] : f32 from vector<1x1xf32>
    %lt3A = vector.broadcast %get3A_57 : f32 to vector<2000x128xf32>
    %lt3A_58 = arith.cmpf olt, %logistic3A_51, %lt3A : vector<2000x128xf32>
    %jit3A = arith.constant 0.000000e+00 : f32
    %jit3A_59 = arith.constant 1.000000e+00 : f32
    %broadcast_in_dim3A = vector.broadcast %jit3A : f32 to vector<2000x128xf32>
    %broadcast_in_dim3A_60 = vector.broadcast %jit3A_59 : f32 to vector<2000x128xf32>
    %select_n3A = arith.select %lt3A_58, %broadcast_in_dim3A, %broadcast_in_dim3A_60 : vector<2000x128xi1>, vector<2000x128xf32>
    %swap3A_61 = arith.constant 0 : index
    %swap3A_62 = arith.constant 0 : index
    %swap3A_63 = vector.load %arg13[%swap3A_61, %swap3A_62] : memref<2000x128xf32, #tpu.memory_space<vmem>>, vector<2000x128xf32>
    tpu.vector_store %arg13[%swap3A_61, %swap3A_62], %select_n3A {strides = array<i32>} : memref<2000x128xf32, #tpu.memory_space<vmem>>, vector<2000x128xf32>,
    return
  }
  func.func @transform_0(%arg0: i32) -> (i32, i32) {
    %add3A = arith.constant 5 : i32
    %add3A_0 = arith.addi %arg0, %add3A : i32
    %c0_i32 = arith.constant 0 : i32
    %c0_i32_1 = arith.constant 0 : i32
    return %add3A_0, %c0_i32 : i32, i32
  }
  func.func @transform_1(%arg0: i32) -> (i32, i32) {
    %c0_i32 = arith.constant 0 : i32
    %c0_i32_0 = arith.constant 0 : i32
    %c0_i32_1 = arith.constant 0 : i32
    return %c0_i32, %c0_i32_0 : i32, i32
  }
  func.func @transform_2(%arg0: i32) -> (i32, i32) {
    %c0_i32 = arith.constant 0 : i32
    %c0_i32_0 = arith.constant 0 : i32
    %c0_i32_1 = arith.constant 0 : i32
    return %c0_i32, %c0_i32_0 : i32, i32
  }
  func.func @transform_3(%arg0: i32) -> (i32, i32) {
    %c0_i32 = arith.constant 0 : i32
    %c0_i32_0 = arith.constant 0 : i32
    %c0_i32_1 = arith.constant 0 : i32
    return %c0_i32, %c0_i32_0 : i32, i32
  }
  func.func @transform_4(%arg0: i32) -> (i32, i32) {
    %c0_i32 = arith.constant 0 : i32
    %c0_i32_0 = arith.constant 0 : i32
    %c0_i32_1 = arith.constant 0 : i32
    return %c0_i32, %c0_i32_0 : i32, i32
  }
  func.func @transform_5(%arg0: i32) -> (i32, i32) {
    %c0_i32 = arith.constant 0 : i32
    %c0_i32_0 = arith.constant 0 : i32
    %c0_i32_1 = arith.constant 0 : i32
    return %c0_i32, %c0_i32_0 : i32, i32
  }
  func.func @transform_6(%arg0: i32) -> (i32, i32) {
    %c0_i32 = arith.constant 0 : i32
    %c0_i32_0 = arith.constant 0 : i32
    %c0_i32_1 = arith.constant 0 : i32
    return %c0_i32, %c0_i32_0 : i32, i32
  }
  func.func @transform_7(%arg0: i32) -> (i32, i32) {
    %c0_i32 = arith.constant 0 : i32
    %c0_i32_0 = arith.constant 0 : i32
    %c0_i32_1 = arith.constant 0 : i32
    return %c0_i32, %c0_i32_0 : i32, i32
  }
  func.func @transform_8(%arg0: i32) -> (i32, i32) {
    %c0_i32 = arith.constant 0 : i32
    %c0_i32_0 = arith.constant 0 : i32
    %c0_i32_1 = arith.constant 0 : i32
    return %c0_i32, %c0_i32_0 : i32, i32
  }
  func.func @transform_9(%arg0: i32) -> (i32, i32) {
    %c0_i32 = arith.constant 0 : i32
    %c0_i32_0 = arith.constant 0 : i32
    %c0_i32_1 = arith.constant 0 : i32
    return %c0_i32, %c0_i32_0 : i32, i32
  }
  func.func @transform_10(%arg0: i32) -> (i32, i32) {
    %c0_i32 = arith.constant 0 : i32
    %c0_i32_0 = arith.constant 0 : i32
    %c0_i32_1 = arith.constant 0 : i32
    return %c0_i32, %c0_i32_0 : i32, i32
  }
  func.func @transform_11(%arg0: i32) -> (i32, i32) {
    %add3A = arith.constant 5 : i32
    %add3A_0 = arith.addi %arg0, %add3A : i32
    %c0_i32 = arith.constant 0 : i32
    %c0_i32_1 = arith.constant 0 : i32
    return %add3A_0, %c0_i32 : i32, i32
  }
  func.func @transform_12(%arg0: i32) -> (i32, i32) {
    %add3A = arith.constant 5 : i32
    %add3A_0 = arith.addi %arg0, %add3A : i32
    %c0_i32 = arith.constant 0 : i32
    %c0_i32_1 = arith.constant 0 : i32
    return %add3A_0, %c0_i32 : i32, i32
  }
}

module attributes {stable_mosaic.version = 14 : i64} {
  func.func @body(%arg0: i32, %arg1: memref<2000x128xf32, #tpu.memory_space<vmem>>, %arg2: memref<2x2000x128xf32, #tpu.memory_space<vmem>>, %arg3: memref<2000x1xf32, #tpu.memory_space<vmem>>, %arg4: memref<2000x1xf32, #tpu.memory_space<vmem>>, %arg5: memref<1x128xf32, #tpu.memory_space<vmem>>, %arg6: memref<128x128xf32, #tpu.memory_space<vmem>>, %arg7: memref<1x128xf32, #tpu.memory_space<vmem>>, %arg8: memref<1x1xf32, #tpu.memory_space<vmem>>, %arg9: memref<2000x128xf32, #tpu.memory_space<vmem>>, %arg10: memref<2000x128xf32, #tpu.memory_space<vmem>>, %arg11: memref<2000x128xf32, #tpu.memory_space<vmem>>, %arg12: memref<2000x128xf32, #tpu.memory_space<vmem>>) attributes {dimension_semantics = [#tpu.dimension_semantics<arbitrary>], iteration_bounds = array<i64: 5>, scalar_prefetch = 0 : i64, scratch_operands = 0 : i64, tpu.core_type = #tpu.core_type<tc>, window_params = [{transform_indices = @transform_0, window_bounds = array<i64: 2000, 128>}, {transform_indices = @transform_1, window_bounds = array<i64: 2, 2000, 128>}, {transform_indices = @transform_2, window_bounds = array<i64: 2000, 1>}, {transform_indices = @transform_3, window_bounds = array<i64: 2000, 1>}, {pipeline_mode = #tpu.pipeline_mode<synchronous>, transform_indices = @transform_4, window_bounds = array<i64: 1, 128>}, {pipeline_mode = #tpu.pipeline_mode<synchronous>, transform_indices = @transform_5, window_bounds = array<i64: 128, 128>}, {pipeline_mode = #tpu.pipeline_mode<synchronous>, transform_indices = @transform_6, window_bounds = array<i64: 1, 128>}, {pipeline_mode = #tpu.pipeline_mode<synchronous>, transform_indices = @transform_7, window_bounds = array<i64: 1, 1>}, {transform_indices = @transform_8, window_bounds = array<i64: 2000, 128>}, {transform_indices = @transform_9, window_bounds = array<i64: 2000, 128>}, {transform_indices = @transform_10, window_bounds = array<i64: 2000, 128>}, {transform_indices = @transform_11, window_bounds = array<i64: 2000, 128>}]} {
    %get3A = arith.constant 0 : index
    %get3A_0 = arith.constant 0 : index
    %get3A_1 = vector.load %arg1[%get3A, %get3A_0] : memref<2000x128xf32, #tpu.memory_space<vmem>>, vector<2000x128xf32>
    %get3A_2 = arith.constant 0 : index
    %get3A_3 = arith.constant 0 : index
    %get3A_4 = vector.load %arg4[%get3A_2, %get3A_3] : memref<2000x1xf32, #tpu.memory_space<vmem>>, vector<2000x1xf32>
    %mul3A = vector.broadcast %get3A_4 : vector<2000x1xf32> to vector<2000x128xf32>
    %mul3A_5 = arith.mulf %get3A_1, %mul3A : vector<2000x128xf32>
    %get3A_6 = arith.constant 0 : index
    %get3A_7 = arith.constant 0 : index
    %get3A_8 = vector.load %arg3[%get3A_6, %get3A_7] : memref<2000x1xf32, #tpu.memory_space<vmem>>, vector<2000x1xf32>
    %get3A_9 = arith.constant 0 : index
    %get3A_10 = arith.constant 0 : index
    %get3A_11 = arith.constant 0 : index
    %get3A_12 = vector.load %arg2[%get3A_9, %get3A_10, %get3A_11] : memref<2x2000x128xf32, #tpu.memory_space<vmem>>, vector<1x2000x128xf32>
    %get3A_13 = vector.shape_cast %get3A_12 : vector<1x2000x128xf32> to vector<2000x128xf32>
    %get3A_14 = arith.constant 1 : index
    %get3A_15 = arith.constant 0 : index
    %get3A_16 = arith.constant 0 : index
    %get3A_17 = vector.load %arg2[%get3A_14, %get3A_15, %get3A_16] : memref<2x2000x128xf32, #tpu.memory_space<vmem>>, vector<1x2000x128xf32>
    %get3A_18 = vector.shape_cast %get3A_17 : vector<1x2000x128xf32> to vector<2000x128xf32>
    %add3A = arith.addf %get3A_13, %get3A_18 : vector<2000x128xf32>
    %mul3A_19 = vector.broadcast %get3A_8 : vector<2000x1xf32> to vector<2000x128xf32>
    %mul3A_20 = arith.mulf %mul3A_19, %add3A : vector<2000x128xf32>
    %add3A_21 = arith.addf %mul3A_5, %mul3A_20 : vector<2000x128xf32>
    %get3A_22 = arith.constant 0 : index
    %get3A_23 = arith.constant 0 : index
    %get3A_24 = vector.load %arg5[%get3A_22, %get3A_23] : memref<1x128xf32, #tpu.memory_space<vmem>>, vector<1x128xf32>
    %add3A_25 = vector.broadcast %get3A_24 : vector<1x128xf32> to vector<2000x128xf32>
    %add3A_26 = arith.addf %add3A_21, %add3A_25 : vector<2000x128xf32>
    %convert_element_type3A = arith.truncf %add3A_26 : vector<2000x128xf32> to vector<2000x128xbf16>
    %get3A_27 = arith.constant 0 : index
    %get3A_28 = arith.constant 0 : index
    %get3A_29 = vector.load %arg6[%get3A_27, %get3A_28] : memref<128x128xf32, #tpu.memory_space<vmem>>, vector<128x128xf32>
    %convert_element_type3A_30 = arith.truncf %get3A_29 : vector<128x128xf32> to vector<128x128xbf16>
    %dot_general3A = arith.constant dense<0.000000e+00> : vector<2000x128xf32>
    %dot_general3A_31 = tpu.matmul %convert_element_type3A, %convert_element_type3A_30, %dot_general3A {dimension_numbers = #tpu.dot_dimension_numbers<[1], [0], [0], [1], [0, 0, 1, 1], [], []>, transpose_lhs_hint = false} : vector<2000x128xbf16>, vector<128x128xbf16>, vector<2000x128xf32> -> vector<2000x128xf32>
    %get3A_32 = arith.constant 0 : index
    %get3A_33 = arith.constant 0 : index
    %get3A_34 = vector.load %arg7[%get3A_32, %get3A_33] : memref<1x128xf32, #tpu.memory_space<vmem>>, vector<1x128xf32>
    %add3A_35 = vector.broadcast %get3A_34 : vector<1x128xf32> to vector<2000x128xf32>
    %add3A_36 = arith.addf %dot_general3A_31, %add3A_35 : vector<2000x128xf32>
    %logistic3A = arith.negf %add3A_36 : vector<2000x128xf32>
    %logistic3A_37 = math.exp %logistic3A : vector<2000x128xf32>
    %logistic3A_38 = arith.constant 1.000000e+00 : f32
    %logistic3A_39 = vector.broadcast %logistic3A_38 : f32 to vector<2000x128xf32>
    %logistic3A_40 = arith.addf %logistic3A_39, %logistic3A_37 : vector<2000x128xf32>
    %logistic3A_41 = arith.divf %logistic3A_39, %logistic3A_40 : vector<2000x128xf32>
    %swap3A = arith.constant 0 : index
    %swap3A_42 = arith.constant 0 : index
    %swap3A_43 = vector.load %arg11[%swap3A, %swap3A_42] : memref<2000x128xf32, #tpu.memory_space<vmem>>, vector<2000x128xf32>
    tpu.vector_store %arg11[%swap3A, %swap3A_42], %logistic3A_41 {strides = array<i32>} : memref<2000x128xf32, #tpu.memory_space<vmem>>, vector<2000x128xf32>,
    %get3A_44 = arith.constant 0 : index
    %get3A_45 = arith.constant 0 : index
    %get3A_46 = vector.load %arg8[%get3A_44, %get3A_45] : memref<1x1xf32, #tpu.memory_space<vmem>>, vector<1x1xf32>
    %get3A_47 = vector.extract %get3A_46[0, 0] : f32 from vector<1x1xf32>
    %lt3A = vector.broadcast %get3A_47 : f32 to vector<2000x128xf32>
    %lt3A_48 = arith.cmpf olt, %logistic3A_41, %lt3A : vector<2000x128xf32>
    %jit3A = arith.constant 0.000000e+00 : f32
    %jit3A_49 = arith.constant 1.000000e+00 : f32
    %broadcast_in_dim3A = vector.broadcast %jit3A : f32 to vector<2000x128xf32>
    %broadcast_in_dim3A_50 = vector.broadcast %jit3A_49 : f32 to vector<2000x128xf32>
    %select_n3A = arith.select %lt3A_48, %broadcast_in_dim3A, %broadcast_in_dim3A_50 : vector<2000x128xi1>, vector<2000x128xf32>
    %swap3A_51 = arith.constant 0 : index
    %swap3A_52 = arith.constant 0 : index
    %swap3A_53 = vector.load %arg12[%swap3A_51, %swap3A_52] : memref<2000x128xf32, #tpu.memory_space<vmem>>, vector<2000x128xf32>
    tpu.vector_store %arg12[%swap3A_51, %swap3A_52], %select_n3A {strides = array<i32>} : memref<2000x128xf32, #tpu.memory_space<vmem>>, vector<2000x128xf32>,
    return
  }
  func.func @transform_0(%arg0: i32) -> (i32, i32) {
    %c0_i32 = arith.constant 0 : i32
    %c0_i32_0 = arith.constant 0 : i32
    return %arg0, %c0_i32 : i32, i32
  }
  func.func @transform_1(%arg0: i32) -> (i32, i32, i32) {
    %c0_i32 = arith.constant 0 : i32
    %c0_i32_0 = arith.constant 0 : i32
    %c0_i32_1 = arith.constant 0 : i32
    return %c0_i32, %arg0, %c0_i32_0 : i32, i32, i32
  }
  func.func @transform_2(%arg0: i32) -> (i32, i32) {
    %c0_i32 = arith.constant 0 : i32
    %c0_i32_0 = arith.constant 0 : i32
    return %arg0, %c0_i32 : i32, i32
  }
  func.func @transform_3(%arg0: i32) -> (i32, i32) {
    %c0_i32 = arith.constant 0 : i32
    %c0_i32_0 = arith.constant 0 : i32
    return %arg0, %c0_i32 : i32, i32
  }
  func.func @transform_4(%arg0: i32) -> (i32, i32) {
    %c0_i32 = arith.constant 0 : i32
    %c0_i32_0 = arith.constant 0 : i32
    %c0_i32_1 = arith.constant 0 : i32
    return %c0_i32, %c0_i32_0 : i32, i32
  }
  func.func @transform_5(%arg0: i32) -> (i32, i32) {
    %c0_i32 = arith.constant 0 : i32
    %c0_i32_0 = arith.constant 0 : i32
    %c0_i32_1 = arith.constant 0 : i32
    return %c0_i32, %c0_i32_0 : i32, i32
  }
  func.func @transform_6(%arg0: i32) -> (i32, i32) {
    %c0_i32 = arith.constant 0 : i32
    %c0_i32_0 = arith.constant 0 : i32
    %c0_i32_1 = arith.constant 0 : i32
    return %c0_i32, %c0_i32_0 : i32, i32
  }
  func.func @transform_7(%arg0: i32) -> (i32, i32) {
    %c0_i32 = arith.constant 0 : i32
    %c0_i32_0 = arith.constant 0 : i32
    %c0_i32_1 = arith.constant 0 : i32
    return %c0_i32, %c0_i32_0 : i32, i32
  }
  func.func @transform_8(%arg0: i32) -> (i32, i32) {
    %c0_i32 = arith.constant 0 : i32
    %c0_i32_0 = arith.constant 0 : i32
    return %arg0, %c0_i32 : i32, i32
  }
  func.func @transform_9(%arg0: i32) -> (i32, i32) {
    %c0_i32 = arith.constant 0 : i32
    %c0_i32_0 = arith.constant 0 : i32
    return %arg0, %c0_i32 : i32, i32
  }
  func.func @transform_10(%arg0: i32) -> (i32, i32) {
    %c0_i32 = arith.constant 0 : i32
    %c0_i32_0 = arith.constant 0 : i32
    return %arg0, %c0_i32 : i32, i32
  }
  func.func @transform_11(%arg0: i32) -> (i32, i32) {
    %c0_i32 = arith.constant 0 : i32
    %c0_i32_0 = arith.constant 0 : i32
    return %arg0, %c0_i32 : i32, i32
  }
}

</mosaic_0001>

<sc_bundles>
// kernel: kernel.15.cloned.1.call-start
scs
__scs_entry_jumppad:
0x0: {  	(pc) =	sbr.rel $0x88, $3  }
0x1: {  	(tag) =	ssettag $0x0;
	lr =	simm.s32 $0x1  }
0x2: {  	[smem:$0x3F96] =	sst lr;
	_ =	strace $0xD0000000  }
0x3: {  	_ = 	snop  }
0x4: {  	_ = 	snop  }
0x5: {  	_ = 	snop  }
0x6: {  	_ = 	snop  }
0x7: {  	_ = 	snop  }
__scs_overlays_trampoline_lowered:
0x8: {  	[smem:$0x3FA5] =	sst s0  }
0x9: {  	[smem:$0x3FA6] =	sst s1  }
0xa: {  	[smem:$0x3FA7] =	sst s2  }
0xb: {  	[smem:$0x3FA8] =	sst s3  }
0xc: {  	[smem:$0x3FA9] =	sst s4  }
0xd: {  	[smem:$0x3FAA] =	sst s5  }
0xe: {  	[smem:$0x3FAB] =	sst s6  }
0xf: {  	[smem:$0x3FAC] =	sst s7  }
0x10: {  	[smem:$0x3FAD] =	sst s8  }
0x11: {  	[smem:$0x3FAE] =	sst s9;
	s0 =	simm.s32 @!p0 $0x0  }
0x12: {  	s1 =	sld [smem:$0x3F94];
	s0 =	simm.s32 @p0 $0x1  }
0x13: {  	[smem:$0x3FAF] =	sst s0;
	s0 =	simm.s32 @!p1 $0x0  }
0x14: {  	s2 =	sld [smem:$0x3F93];
	s0 =	simm.s32 @p1 $0x1  }
0x15: {  	[smem:$0x3FB0] =	sst s0;
	s0 =	simm.s32 @!p2 $0x0  }
0x16: {  	s3 =	sld [smem:$0x3FDB];
	s0 =	simm.s32 @p2 $0x1  }
0x17: {  	s4 =	simm.s32 $0x1BF5;
	[smem:$0x3FB2] =	sst s0  }
0x18: {  	s0 =	sld [smem:$0x3F95];
	_ =	swait.ge [sflag:s4], $0x0  }
0x19: {  	s7 =	sld [smem:$0x3F96]  }
0x1a: {  	s8 =	sadd.s32 $0xFFFFE003, lr  }
0x1b: {  	s9 =	sadd.s32 $0xFFFFFEF7, lr;
	s5 =	simm.s32 $0xFFFFFFFF;
	p2 =	slt.u32 s8, $0xFFFFF086  }
0x1c: {  	p1 =	slt.u32 s9, $0xF7A;
	s5 =	simm.s32 @!p2 $0x0  }
0x1d: {  	s5 =	simm.s32 @p1 $0x1;
	p0 =	seq.s32 s7, s2  }
0x1e: {  	s7 =	smul.u32 @!p0 $0xF7A, s2;
	p2 =	seq.s32 @!p0 s5, $0x0  }
0x1f: {  	s9 =	smul.u32 $0xF7A, s1;
	s8 =	simm.s32 @!p0 $0x1BF5;
	p2 =	por !p2, p0  }
0x20: {  	[sflag:s8] =	ssyncset.s32 @!p0 $0xFFFFF086;
	s6 =	sadd.s32 @!p0 s3, s7;
	s7 =	simm.s32 @!p0 $0x108  }
0x21: {  	s3 =	sadd.s32 s3, s9;
	s6 =	sadd.s32 @!p0 $0x88, s6;
	s7 =	simm.s32 @p2 $0x1082  }
0x22: {  	[simem:s7], [sflag:s8] =	dma.local @!p0 [hbm:s6], $0xF7A  }
0x23: {  	s9 =	sor.u32 $0xD0000000, s2;
	s6 =	simm.s32 $0x108;
	_ =	swait.ge @!p0 [sflag:s8], $0x0  }
0x24: {  	s3 =	sadd.s32 $0x88, s3;
	s6 =	simm.s32 @!p1 $0x1082;
	[sflag:s4] =	ssyncset.s32 $0xFFFFF086  }
0x25: {  	[simem:s6], [sflag:s4] =	dma.local [hbm:s3], $0xF7A  }
0x26: {  	[smem:$0x3F96] =	sst s1;
	(tag) =	ssettag s2;
	_ =	strace s9  }
0x27: {  	s1 =	sld [smem:$0x3FA6]  }
0x28: {  	s2 =	sld [smem:$0x3FA7]  }
0x29: {  	s4 =	sld [smem:$0x3FA9]  }
0x2a: {  	p0 =	seq.s32 s5, $0x0;
	s5 =	sld [smem:$0x3FAA]  }
0x2b: {  	s6 =	sld [smem:$0x3FAB]  }
0x2c: {  	s7 =	sld [smem:$0x3FAC]  }
0x2d: {  	s3 =	simm.s32 $0x108;
	s8 =	sld [smem:$0x3FAD]  }
0x2e: {  	s3 =	simm.s32 @!p0 $0x1082;
	s9 =	sld [smem:$0x3FAE]  }
0x2f: {  	lr =	sadd.s32 s0, s3;
	s0 =	sld [smem:$0x3FA5]  }
0x30: {  	s3 =	sld [smem:$0x3FA8]  }
0x31: {  	[smem:$0x3FB1] =	sst s10  }
0x32: {  	s10 =	sld [smem:$0x3FAF];
	_ =	sdelay $0x3  }
0x33: {  	p0 =	seq.s32 s10, $0x1;
	s10 =	sld [smem:$0x3FB1];
	_ =	sdelay $0x3  }
0x34: {  	[smem:$0x3FB1] =	sst s10  }
0x35: {  	s10 =	sld [smem:$0x3FB0];
	_ =	sdelay $0x3  }
0x36: {  	p1 =	seq.s32 s10, $0x1;
	s10 =	sld [smem:$0x3FB1];
	_ =	sdelay $0x3  }
0x37: {  	[smem:$0x3FB1] =	sst s10  }
0x38: {  	s10 =	sld [smem:$0x3FB2]  }
0x39: {  	_ = 	snop;
	(pc) =	sbr.ind lr, $3  }
0x3a: {  	_ = 	snop  }
0x3b: {  	_ = 	snop  }
0x3c: {  	p2 =	seq.s32 s10, $0x1;
	s10 =	sld [smem:$0x3FB1]  }
0x3d: {  	_ =	shalt  }
0x3e: {  	_ =	shalt  }
0x3f: {  	_ =	shalt  }
0x40: {  	_ =	shalt  }
0x41: {  	_ =	shalt  }
0x42: {  	_ =	shalt  }
0x43: {  	_ =	shalt  }
0x44: {  	_ =	shalt  }
0x45: {  	_ =	shalt  }
0x46: {  	_ =	shalt  }
0x47: {  	_ =	shalt  }
0x48: {  	_ =	shalt  }
0x49: {  	_ =	shalt  }
0x4a: {  	_ =	shalt  }
0x4b: {  	_ =	shalt  }
0x4c: {  	_ =	shalt  }
0x4d: {  	_ =	shalt  }
0x4e: {  	_ =	shalt  }
0x4f: {  	_ =	shalt  }
0x50: {  	_ =	shalt  }
0x51: {  	_ =	shalt  }
0x52: {  	_ =	shalt  }
0x53: {  	_ =	shalt  }
0x54: {  	_ =	shalt  }
0x55: {  	_ =	shalt  }
0x56: {  	_ =	shalt  }
0x57: {  	_ =	shalt  }
0x58: {  	_ =	shalt  }
0x59: {  	_ =	shalt  }
0x5a: {  	_ =	shalt  }
0x5b: {  	_ =	shalt  }
0x5c: {  	_ =	shalt  }
0x5d: {  	_ =	shalt  }
0x5e: {  	_ =	shalt  }
0x5f: {  	_ =	shalt  }
0x60: {  	_ =	shalt  }
0x61: {  	_ =	shalt  }
0x62: {  	_ =	shalt  }
0x63: {  	_ =	shalt  }
0x64: {  	_ =	shalt  }
0x65: {  	_ =	shalt  }
0x66: {  	_ =	shalt  }
0x67: {  	_ =	shalt  }
0x68: {  	_ =	shalt  }
0x69: {  	_ =	shalt  }
0x6a: {  	_ =	shalt  }
0x6b: {  	_ =	shalt  }
0x6c: {  	_ =	shalt  }
0x6d: {  	_ =	shalt  }
0x6e: {  	_ =	shalt  }
0x6f: {  	_ =	shalt  }
0x70: {  	_ =	shalt  }
0x71: {  	_ =	shalt  }
0x72: {  	_ =	shalt  }
0x73: {  	_ =	shalt  }
0x74: {  	_ =	shalt  }
0x75: {  	_ =	shalt  }
0x76: {  	_ =	shalt  }
0x77: {  	_ =	shalt  }
0x78: {  	_ =	shalt  }
0x79: {  	_ =	shalt  }
0x7a: {  	_ =	shalt  }
0x7b: {  	_ =	shalt  }
0x7c: {  	_ =	shalt  }
0x7d: {  	_ =	shalt  }
0x7e: {  	_ =	shalt  }
0x7f: {  	_ =	shalt  }
0x80: {  	_ =	shalt  }
0x81: {  	_ =	shalt  }
0x82: {  	_ =	shalt  }
0x83: {  	_ =	shalt  }
0x84: {  	_ =	shalt  }
0x85: {  	_ =	shalt  }
0x86: {  	_ =	shalt  }
0x87: {  	_ =	shalt  }
.Lfunc_end0:
.L_simem_size_0:
called_computation_lowered:
.L_overlay_start_0:
0x88: {  	s2 =	sld [smem:$0x3FD9]  }
0x89: {  	s3 =	sld [smem:$0x3FFE];
	_ =	sdelay $0x1  }
0x8a: {  	s1 =	srdreg.scid  }
0x8b: {  	s0 =	sand.u32 $0x1, s1  }
0x8c: {  	s14 =	sshll.u32 s0, $0xA;
	s2 =	sadd.s32 s3, s2  }
0x8d: {  	s2 =	sadd.s32 s2, s14  }
0x8e: {  	[smem:$0x3FBD] =	sst s2  }
0x8f: {  	_ = 	snop  }
0x90: {  	s2 =	sld [smem:$0x3FD0];
	_ =	sdelay $0x2  }
0x91: {  	s15 =	simm.s32 $0xB;
	s4 =	simm.s32 $0x10  }
0x92: {  	[smem:s4], [sflag:s15] =	dma.local [hbm:s2], $0x1  }
0x93: {  	_ =	swait.eq [sflag:s15], $0x1  }
0x94: {  	[sflag:s15] =	ssyncset.done $0x0  }
0x95: {  	[sflag:s15] =	ssyncadd.s32 $0xFFFFFFFF  }
0x96: {  	s16 =	sld [smem:$0x11];
	(tm) =	ssettm $0x1  }
0x97: {  	s17 =	sld [smem:$0x3FFB];
	_ =	sdelay $0x3  }
0x98: {  	_ =	strace s17  }
0x99: {  	s3 =	sld [smem:$0x3FFC];
	_ =	sdelay $0x3  }
0x9a: {  	_ =	strace s3  }
0x9b: {  	s3 =	sld [smem:$0x3FFD];
	_ =	sdelay $0x3  }
0x9c: {  	_ =	strace s3  }
0x9d: {  	_ =	strace $0x8FFFFFFF  }
0x9e: {  	s18 =	sld [smem:$0x3FDB];
	_ =	sdelay $0x1  }
0x9f: {  	s19 =	simm.s32 $_scs_section_size  }
0xa0: {  	s5 =	simm.s32 $_size__tile_overlayer_lowered;
	s6 =	simm.s32 $_tile_overlayer_lowered  }
0xa1: {  	s22 =	simm.s32 $0x1BFF;
	s21 =	sshll.u32 s6, $0x1;
	s3 =	sadd.s32 s19, s18  }
0xa2: {  	s7 =	simm.s32 $0x0;
	s20 =	sshll.u32 s5, $0x1;
	s5 =	sadd.s32 s21, s3  }
0xa3: {  	[timem:s7], [sflag:s22] =	dma.local [hbm:s5], s20  }
0xa4: {  	_ =	swait.ge [sflag:s22], s20  }
0xa5: {  	s4 =	ssub.s32 $0x0, s20;
	[sflag:s22] =	ssyncset.done $0x0  }
0xa6: {  	[sflag:s22] =	ssyncadd.s32 s4;
	_ =	sdelay $0x1  }
0xa7: {  	s23 =	simm.s32 $0x1B8B  }
0xa8: {  	_ =	swait.ge [sflag:s23], $0x1  }
0xa9: {  	[sflag:s23] =	ssyncset.done $0x0  }
0xaa: {  	s25 =	simm.s32 $0x1B8E;
	s24 =	sld [smem:$0x3FFE];
	[sflag:s23] =	ssyncadd.s32 $0xFFFFFFFF  }
0xab: {  	s26 =	simm.s32 $execute0_lowered;
	[smem:$0x3FD2] =	sst s25  }
0xac: {  	s5 =	sshll.u32 s26, $0x1;
	_ =	strace $0x80000046;
	[dreg:$0x1] =	wrdreg $0xFFFFFFFF  }
0xad: {  	s28 =	simm.s32 $_size_execute0_lowered;
	s3 =	sadd.s32 s3, s5;
	[dreg:$0x0] =	wrdreg $0x0  }
0xae: {  	s5 =	sshll.u32 s28, $0x1;
	[dreg:$0x2] =	wrdreg s3  }
0xaf: {  	[dreg:$0x3] =	wrdreg s5  }
0xb0: {  	[dreg:$0x4] =	wrdreg $0xC0  }
0xb1: {  	_ =	task [dreg:s7], $0x5FFFF  }
0xb2: {  	[dreg:$0x1] =	wrdreg $0xFFFFFFFF  }
0xb3: {  	[dreg:$0x0] =	wrdreg $0x60  }
0xb4: {  	[dreg:$0x2] =	wrdreg s24  }
0xb5: {  	[dreg:$0x3] =	wrdreg s16  }
0xb6: {  	[dreg:$0x4] =	wrdreg $0x28800  }
0xb7: {  	[dreg:$0x5] =	wrdreg $0x9  }
0xb8: {  	_ =	task.clear_ibuf [dreg:s7], $0x6FFFF;
	_ =	strace $0x90000046  }
0xb9: {  	s29 =	simm.s32 $0x9;
	_ =	strace $0x80000048  }
0xba: {  	_ =	swait.ge [sflag:s29], $0x1  }
0xbb: {  	[sflag:s29] =	ssyncadd.s32 $0xFFFFFFFF  }
0xbc: {  	_ =	strace $0x90000048  }
0xbd: {  	_ =	sfence  }
0xbe: {  	s30 =	sld [smem:$0x0];
	_ =	sdelay $0x2  }
0xbf: {  	s31 =	sshll.u32 s1, $0xD;
	s1 =	sshrl.u32 s1, $0x2  }
0xc0: {  	s3 =	sand.u32 $0x4000, s31;
	s1 =	sadd.s32 s1, s30  }
0xc1: {  	s0 =	sor.u32 s3, s0;
	s1 =	sshll.u32 s1, $0x11  }
0xc2: {  	s0 =	sor.u32 s1, s0  }
0xc3: {  	s0 =	sadd.s32 $0x8F2B, s0  }
0xc4: {  	[sflag:s0] =	ssyncadd.remote.s32 $0x1  }
0xc5: {  	_ =	sfence.sel $0xFFFF  }
0xc6: {  	[dreg:$0x0] =	wrdreg $0xFFFFFFFF;
	(pc) =	sbr.abs _section_cstart, $3  }
0xc7: {  	[dreg:$0x1] =	wrdreg $0xFFFFFFFF  }
0xc8: {  	_ =	task.clear_ibuf [dreg:s7], $0x2FFFF;
	_ =	strace $0x9FFFFFFF  }
0xc9: {  	(tm) =	ssettm $0x7FFFFFFF  }
tec
execute0_lowered:
.L_overlay_start_1:
0x0: {  	(tag) =	ssettag $0x1  }
0x1: {  	s4 =	rddreg [dreg:$0x0]  }
0x2: {  	s0 =	srdreg.scid;
	s7 =	rddreg [dreg:$0x1]  }
0x3: {  	s2 =	rddreg [dreg:$0x2];
	s5 =	sand.u32 $0x1, s0  }
0x4: {  	s0 =	stileid.u32;
	s6 =	smul.u32 $0x27100, s5  }
0x5: {  	s1 =	rddreg [dreg:$0x3];
	s8 =	smul.u32 $0x2710, s0  }
0x6: {  	s3 =	simm.s32 $0x0;
	s13 =	simm.s32 $0x50;
	s29 =	smul.u32 $0x14000, s0  }
0x7: {  	s14 =	simm.s32 $0x0;
	[smem:$0x7FF] =	sst s3;
	s10 =	smul.u32 $0x50000, s0  }
0x8: {  	_ =	strace $0x80000047;
	s11 =	ssub.s32 $0x2, s5;
	s5 =	smul.u32 $0x140000, s5  }
0x9: {  	s31 =	sshll.u32 s0, $0x6;
	s12 =	sshrl.u32 s11, $0x1;
	s6 =	sadd.s32 s8, s6  }
0xa: {  	s30 =	sshrl.u32 s29, $0x3;
	s10 =	sshrl.u32 s10, $0x2;
	s11 =	ssub.s32 s11, s12  }
0xb: {  	s8 =	sadd.s32 s29, s5;
	s12 =	simm.s32 $0x80;
	s6 =	sshrl.u32 s6, $0x3  }
0xc: {  	s10 =	sadd.s32 s10, s2;
	s8 =	sshrl.u32 s8, $0x3;
	s9 =	sadd.s32 s6, s4  }
0xd: {  	s6 =	sadd.s32 s30, s4;
	s4 =	sadd.s32 $0x17400, s4;
	s7 =	sadd.s32 s7, s8  }
0xe: {  	s8 =	smax.u32 s11, $0x1;
	s10 =	sshrl.u32 s10, $0x3;
	s11 =	simm.s32 $0x1  }
0xf: {  	s5 =	sadd.s32 $0x17A00, s6;
	s6 =	sor.u32 $0x1C01, s31;
	s9 =	sadd.s32 $0x3800, s9  }
.LBB2_1:
0x10: {  	[spmem:s10], [sflag:s6] =	dma.local [hbm:s5], $0x2800  }
0x11: {  	_ =	swait.ge [sflag:s11], $0x2800  }
0x12: {  	[sflag:s11] =	ssyncset.done $0x0  }
0x13: {  	[sflag:s11] =	ssyncadd.s32 $0xFFFFD800  }
0x14: {  	[tilespmem:s12], [sflag:$0x1] =	stream.linear.gather [hbm4b:s4+s3], $0x2800, $0x38;
	[tilespmem:$0x16880] =	vst v63  }
0x15: {  	_ =	swait.ge [sflag:s11], $0x2800  }
0x16: {  	[sflag:s11] =	ssyncset.done $0x0  }
0x17: {  	[sflag:s11] =	ssyncadd.s32 $0xFFFFD800  }
0x18: {  	s15 =	sadd.s32 $0x0, s9;
	[bflag:$0x0] =	sbarrier.arrive $0xFFFF  }
0x19: {  	[tilespmem:s3], [sflag:$0x1] =	stream.linear.gather [hbm4b:s15+s3], $0x50, $0x38;
	[tilespmem:$0x16880] =	vst v63  }
0x1a: {  	_ =	swait.ge [sflag:s11], $0x50  }
0x1b: {  	[sflag:s11] =	ssyncset.done $0x0  }
0x1c: {  	[sflag:s11] =	ssyncadd.s32 $0xFFFFFFB0  }
0x1d: {  	[spmem:s2] =	stream.indirect.scatter.add.f32 [tilespmem:s12], [sflag:$0x1], $0x80, s3, s13, $0xb8;
	[tilespmem:$0x16880] =	vst v63  }
0x1e: {  	_ =	swait.ge [sflag:s11], $0x2800  }
0x1f: {  	s16 =	simm.s32 $0x14;
	s15 =	simm.s32 $0xA;
	[sflag:s11] =	ssyncset.done $0x0  }
.LBB2_2:
0x20: {  	s17 =	sadd.s32 s15, s9  }
0x21: {  	[sflag:s11] =	ssyncadd.s32 $0xFFFFD800;
	s15 =	smov.u32 s16;
	s18 =	sadd.s32 $0xA, s16  }
0x22: {  	[tilespmem:s3], [sflag:$0x1] =	stream.linear.gather [hbm4b:s17+s3], $0x50, $0x38;
	[tilespmem:$0x16880] =	vst v63  }
0x23: {  	p0 =	sne.s32 s16, $0x4D8;
	_ =	swait.ge [sflag:s11], $0x50  }
.Ltmp0:
0x24: {  	[sflag:s11] =	ssyncset.done $0x0;
	(pc) =	sbr.rel @p0 .LBB2_2-.Ltmp0, $4  }
0x25: {  	[sflag:s11] =	ssyncadd.s32 $0xFFFFFFB0  }
0x26: {  	[spmem:s2] =	stream.indirect.scatter.add.f32 [tilespmem:s12], [sflag:$0x1], $0x80, s3, s13, $0xb8;
	[tilespmem:$0x16880] =	vst v63  }
0x27: {  	_ =	swait.ge [sflag:s11], $0x2800  }
0x28: {  	s16 =	smov.u32 s18;
	[sflag:s11] =	ssyncset.done $0x0  }
0x29: {  	s15 =	sadd.s32 s15, s9;
	[sflag:s11] =	ssyncadd.s32 $0xFFFFD800  }
0x2a: {  	[tilespmem:s3], [sflag:$0x1] =	stream.linear.gather [hbm4b:s15+s3], $0x50, $0x38;
	[tilespmem:$0x16880] =	vst v63  }
0x2b: {  	_ =	swait.ge [sflag:s11], $0x50  }
0x2c: {  	[sflag:s11] =	ssyncset.done $0x0  }
0x2d: {  	[sflag:s11] =	ssyncadd.s32 $0xFFFFFFB0  }
0x2e: {  	[spmem:s2] =	stream.indirect.scatter.add.f32 [tilespmem:s12], [sflag:$0x1], $0x80, s3, s13, $0xb8;
	[tilespmem:$0x16880] =	vst v63  }
0x2f: {  	_ =	swait.ge [sflag:s11], $0x2800  }
0x30: {  	s14 =	sadd.s32 $0x1, s14;
	[sflag:s11] =	ssyncset.done $0x0  }
0x31: {  	p0 =	sne.s32 s14, s8;
	[sflag:s11] =	ssyncadd.s32 $0xFFFFD800  }
.Ltmp1:
0x32: {  	[bflag:$0x0] =	sbarrier.arrive $0xFFFF;
	(pc) =	sbr.rel @p0 .LBB2_1-.Ltmp1, $4  }
0x33: {  	[hbm:s7], [sflag:s6] =	dma.local [spmem:s10], $0x2800  }
0x34: {  	_ =	swait.ge [sflag:s11], $0x2800  }
0x35: {  	[sflag:s11] =	ssyncset.done $0x0  }
0x36: {  	[sflag:s11] =	ssyncadd.s32 $0xFFFFD800  }
0x37: {  	_ =	sfence.sel $0x180000  }
0x38: {  	[bflag:$0x0] =	sbarrier.arrive $0xFFFF  }
0x39: {  	p0 =	sne.s32 s0, $0x0;
	_ =	strace $0x90000047  }
0x3a: {  	s0 =	sadd.s32 @!p0 $0x100000, s1;
	[bflag:$0x2] =	sbarrier.arrive $0xFFFF  }
0x3b: {  	[sflag:s0] =	ssyncadd.tile.s32 @!p0 $0x1;
	_ =	shalt  }
.Lfunc_end2:
_tile_overlayer_lowered:
.L_overlay_start_2:
0x3c: {  	(tag) =	ssettag $0x2  }
0x3d: {  	s0 =	rddreg [dreg:$0x0];
	s2 =	stileid.u32  }
0x3e: {  	s1 =	rddreg [dreg:$0x1];
	p0 =	sne.s32 s2, $0x0  }
0x3f: {  	s3 =	rddreg [dreg:$0x2];
	[bflag:$0x3] =	sbarrier.arrive $0xFFFF;
	s2 =	simm.s32 @!p0 $0x1C01  }
0x40: {  	[timem:s3], [sflag:s2] =	dma.local @!p0 [hbm:s0], s1  }
0x41: {  	s0 =	simm.s32 @!p0 $0x1  }
0x42: {  	_ =	swait.ge @!p0 [sflag:s0], s1  }
0x43: {  	s1 =	ssub.s32 @!p0 $0x0, s1;
	[sflag:s0] =	ssyncset.done @!p0 $0x0  }
0x44: {  	[sflag:s0] =	ssyncadd.s32 @!p0 s1  }
0x45: {  	[bflag:$0x3] =	sbarrier.arrive $0xFFFF  }
0x46: {  	_ =	shalt  }

// kernel: kernel.18.cloned.1.call-start
scs
__scs_entry_jumppad:
0x0: {  	(pc) =	sbr.rel $0x88, $3  }
0x1: {  	(tag) =	ssettag $0x0;
	lr =	simm.s32 $0x1  }
0x2: {  	[smem:$0x3F96] =	sst lr;
	_ =	strace $0xD0000000  }
0x3: {  	_ = 	snop  }
0x4: {  	_ = 	snop  }
0x5: {  	_ = 	snop  }
0x6: {  	_ = 	snop  }
0x7: {  	_ = 	snop  }
__scs_overlays_trampoline_lowered:
0x8: {  	[smem:$0x3FA5] =	sst s0  }
0x9: {  	[smem:$0x3FA6] =	sst s1  }
0xa: {  	[smem:$0x3FA7] =	sst s2  }
0xb: {  	[smem:$0x3FA8] =	sst s3  }
0xc: {  	[smem:$0x3FA9] =	sst s4  }
0xd: {  	[smem:$0x3FAA] =	sst s5  }
0xe: {  	[smem:$0x3FAB] =	sst s6  }
0xf: {  	[smem:$0x3FAC] =	sst s7  }
0x10: {  	[smem:$0x3FAD] =	sst s8  }
0x11: {  	[smem:$0x3FAE] =	sst s9;
	s0 =	simm.s32 @!p0 $0x0  }
0x12: {  	s1 =	sld [smem:$0x3F94];
	s0 =	simm.s32 @p0 $0x1  }
0x13: {  	[smem:$0x3FAF] =	sst s0;
	s0 =	simm.s32 @!p1 $0x0  }
0x14: {  	s2 =	sld [smem:$0x3F93];
	s0 =	simm.s32 @p1 $0x1  }
0x15: {  	[smem:$0x3FB0] =	sst s0;
	s0 =	simm.s32 @!p2 $0x0  }
0x16: {  	s3 =	sld [smem:$0x3FDB];
	s0 =	simm.s32 @p2 $0x1  }
0x17: {  	s4 =	simm.s32 $0x1BF5;
	[smem:$0x3FB2] =	sst s0  }
0x18: {  	s0 =	sld [smem:$0x3F95];
	_ =	swait.ge [sflag:s4], $0x0  }
0x19: {  	s7 =	sld [smem:$0x3F96]  }
0x1a: {  	s8 =	sadd.s32 $0xFFFFE003, lr  }
0x1b: {  	s9 =	sadd.s32 $0xFFFFFEF7, lr;
	s5 =	simm.s32 $0xFFFFFFFF;
	p2 =	slt.u32 s8, $0xFFFFF086  }
0x1c: {  	p1 =	slt.u32 s9, $0xF7A;
	s5 =	simm.s32 @!p2 $0x0  }
0x1d: {  	s5 =	simm.s32 @p1 $0x1;
	p0 =	seq.s32 s7, s2  }
0x1e: {  	s7 =	smul.u32 @!p0 $0xF7A, s2;
	p2 =	seq.s32 @!p0 s5, $0x0  }
0x1f: {  	s9 =	smul.u32 $0xF7A, s1;
	s8 =	simm.s32 @!p0 $0x1BF5;
	p2 =	por !p2, p0  }
0x20: {  	[sflag:s8] =	ssyncset.s32 @!p0 $0xFFFFF086;
	s6 =	sadd.s32 @!p0 s3, s7;
	s7 =	simm.s32 @!p0 $0x108  }
0x21: {  	s3 =	sadd.s32 s3, s9;
	s6 =	sadd.s32 @!p0 $0x88, s6;
	s7 =	simm.s32 @p2 $0x1082  }
0x22: {  	[simem:s7], [sflag:s8] =	dma.local @!p0 [hbm:s6], $0xF7A  }
0x23: {  	s9 =	sor.u32 $0xD0000000, s2;
	s6 =	simm.s32 $0x108;
	_ =	swait.ge @!p0 [sflag:s8], $0x0  }
0x24: {  	s3 =	sadd.s32 $0x88, s3;
	s6 =	simm.s32 @!p1 $0x1082;
	[sflag:s4] =	ssyncset.s32 $0xFFFFF086  }
0x25: {  	[simem:s6], [sflag:s4] =	dma.local [hbm:s3], $0xF7A  }
0x26: {  	[smem:$0x3F96] =	sst s1;
	(tag) =	ssettag s2;
	_ =	strace s9  }
0x27: {  	s1 =	sld [smem:$0x3FA6]  }
0x28: {  	s2 =	sld [smem:$0x3FA7]  }
0x29: {  	s4 =	sld [smem:$0x3FA9]  }
0x2a: {  	p0 =	seq.s32 s5, $0x0;
	s5 =	sld [smem:$0x3FAA]  }
0x2b: {  	s6 =	sld [smem:$0x3FAB]  }
0x2c: {  	s7 =	sld [smem:$0x3FAC]  }
0x2d: {  	s3 =	simm.s32 $0x108;
	s8 =	sld [smem:$0x3FAD]  }
0x2e: {  	s3 =	simm.s32 @!p0 $0x1082;
	s9 =	sld [smem:$0x3FAE]  }
0x2f: {  	lr =	sadd.s32 s0, s3;
	s0 =	sld [smem:$0x3FA5]  }
0x30: {  	s3 =	sld [smem:$0x3FA8]  }
0x31: {  	[smem:$0x3FB1] =	sst s10  }
0x32: {  	s10 =	sld [smem:$0x3FAF];
	_ =	sdelay $0x3  }
0x33: {  	p0 =	seq.s32 s10, $0x1;
	s10 =	sld [smem:$0x3FB1];
	_ =	sdelay $0x3  }
0x34: {  	[smem:$0x3FB1] =	sst s10  }
0x35: {  	s10 =	sld [smem:$0x3FB0];
	_ =	sdelay $0x3  }
0x36: {  	p1 =	seq.s32 s10, $0x1;
	s10 =	sld [smem:$0x3FB1];
	_ =	sdelay $0x3  }
0x37: {  	[smem:$0x3FB1] =	sst s10  }
0x38: {  	s10 =	sld [smem:$0x3FB2]  }
0x39: {  	_ = 	snop;
	(pc) =	sbr.ind lr, $3  }
0x3a: {  	_ = 	snop  }
0x3b: {  	_ = 	snop  }
0x3c: {  	p2 =	seq.s32 s10, $0x1;
	s10 =	sld [smem:$0x3FB1]  }
0x3d: {  	_ =	shalt  }
0x3e: {  	_ =	shalt  }
0x3f: {  	_ =	shalt  }
0x40: {  	_ =	shalt  }
0x41: {  	_ =	shalt  }
0x42: {  	_ =	shalt  }
0x43: {  	_ =	shalt  }
0x44: {  	_ =	shalt  }
0x45: {  	_ =	shalt  }
0x46: {  	_ =	shalt  }
0x47: {  	_ =	shalt  }
0x48: {  	_ =	shalt  }
0x49: {  	_ =	shalt  }
0x4a: {  	_ =	shalt  }
0x4b: {  	_ =	shalt  }
0x4c: {  	_ =	shalt  }
0x4d: {  	_ =	shalt  }
0x4e: {  	_ =	shalt  }
0x4f: {  	_ =	shalt  }
0x50: {  	_ =	shalt  }
0x51: {  	_ =	shalt  }
0x52: {  	_ =	shalt  }
0x53: {  	_ =	shalt  }
0x54: {  	_ =	shalt  }
0x55: {  	_ =	shalt  }
0x56: {  	_ =	shalt  }
0x57: {  	_ =	shalt  }
0x58: {  	_ =	shalt  }
0x59: {  	_ =	shalt  }
0x5a: {  	_ =	shalt  }
0x5b: {  	_ =	shalt  }
0x5c: {  	_ =	shalt  }
0x5d: {  	_ =	shalt  }
0x5e: {  	_ =	shalt  }
0x5f: {  	_ =	shalt  }
0x60: {  	_ =	shalt  }
0x61: {  	_ =	shalt  }
0x62: {  	_ =	shalt  }
0x63: {  	_ =	shalt  }
0x64: {  	_ =	shalt  }
0x65: {  	_ =	shalt  }
0x66: {  	_ =	shalt  }
0x67: {  	_ =	shalt  }
0x68: {  	_ =	shalt  }
0x69: {  	_ =	shalt  }
0x6a: {  	_ =	shalt  }
0x6b: {  	_ =	shalt  }
0x6c: {  	_ =	shalt  }
0x6d: {  	_ =	shalt  }
0x6e: {  	_ =	shalt  }
0x6f: {  	_ =	shalt  }
0x70: {  	_ =	shalt  }
0x71: {  	_ =	shalt  }
0x72: {  	_ =	shalt  }
0x73: {  	_ =	shalt  }
0x74: {  	_ =	shalt  }
0x75: {  	_ =	shalt  }
0x76: {  	_ =	shalt  }
0x77: {  	_ =	shalt  }
0x78: {  	_ =	shalt  }
0x79: {  	_ =	shalt  }
0x7a: {  	_ =	shalt  }
0x7b: {  	_ =	shalt  }
0x7c: {  	_ =	shalt  }
0x7d: {  	_ =	shalt  }
0x7e: {  	_ =	shalt  }
0x7f: {  	_ =	shalt  }
0x80: {  	_ =	shalt  }
0x81: {  	_ =	shalt  }
0x82: {  	_ =	shalt  }
0x83: {  	_ =	shalt  }
0x84: {  	_ =	shalt  }
0x85: {  	_ =	shalt  }
0x86: {  	_ =	shalt  }
0x87: {  	_ =	shalt  }
.Lfunc_end0:
.L_simem_size_0:
called_computation.1_lowered:
.L_overlay_start_0:
0x88: {  	s2 =	sld [smem:$0x3FD9]  }
0x89: {  	s3 =	sld [smem:$0x3FFE];
	_ =	sdelay $0x1  }
0x8a: {  	s1 =	srdreg.scid  }
0x8b: {  	s0 =	sand.u32 $0x1, s1  }
0x8c: {  	s15 =	sshll.u32 s0, $0xA;
	s2 =	sadd.s32 s3, s2  }
0x8d: {  	s2 =	sadd.s32 s2, s15  }
0x8e: {  	[smem:$0x3FBD] =	sst s2  }
0x8f: {  	_ = 	snop  }
0x90: {  	s2 =	sld [smem:$0x3FD0];
	_ =	sdelay $0x2  }
0x91: {  	s16 =	simm.s32 $0xB;
	s4 =	simm.s32 $0x10  }
0x92: {  	[smem:s4], [sflag:s16] =	dma.local [hbm:s2], $0x1  }
0x93: {  	_ =	swait.eq [sflag:s16], $0x1  }
0x94: {  	[sflag:s16] =	ssyncset.done $0x0  }
0x95: {  	[sflag:s16] =	ssyncadd.s32 $0xFFFFFFFF  }
0x96: {  	s17 =	sld [smem:$0x10];
	(tm) =	ssettm $0x1  }
0x97: {  	s18 =	sld [smem:$0x3FFB];
	_ =	sdelay $0x3  }
0x98: {  	_ =	strace s18  }
0x99: {  	s2 =	sld [smem:$0x3FFC];
	_ =	sdelay $0x3  }
0x9a: {  	_ =	strace s2  }
0x9b: {  	s2 =	sld [smem:$0x3FFD];
	_ =	sdelay $0x3  }
0x9c: {  	_ =	strace s2  }
0x9d: {  	_ =	strace $0x8FFFFFFF  }
0x9e: {  	s19 =	sld [smem:$0x3FDB];
	_ =	sdelay $0x1  }
0x9f: {  	s20 =	simm.s32 $_scs_section_size  }
0xa0: {  	s5 =	simm.s32 $_size__tile_overlayer_lowered;
	s6 =	simm.s32 $_tile_overlayer_lowered  }
0xa1: {  	s7 =	simm.s32 $0x1BFF;
	s21 =	sshll.u32 s6, $0x1;
	s4 =	sadd.s32 s20, s19  }
0xa2: {  	s22 =	simm.s32 $0x0;
	s5 =	sshll.u32 s5, $0x1;
	s6 =	sadd.s32 s21, s4  }
0xa3: {  	[timem:s22], [sflag:s7] =	dma.local [hbm:s6], s5  }
0xa4: {  	_ =	swait.ge [sflag:s7], s5  }
0xa5: {  	s5 =	ssub.s32 $0x0, s5;
	[sflag:s7] =	ssyncset.done $0x0  }
0xa6: {  	[sflag:s7] =	ssyncadd.s32 s5;
	_ =	sdelay $0x1  }
0xa7: {  	s23 =	simm.s32 $0x1B8B  }
0xa8: {  	_ =	swait.ge [sflag:s23], $0x1  }
0xa9: {  	[sflag:s23] =	ssyncset.done $0x0  }
0xaa: {  	[sflag:s23] =	ssyncadd.s32 $0xFFFFFFFF  }
0xab: {  	s5 =	sld [smem:$0x0]  }
0xac: {  	s6 =	sand.u32 $0xFFFFFFFE, s1  }
0xad: {  	p0 =	sne.s32 s1, s6  }
0xae: {  	s6 =	sshll.u32 @p0 s6, $0xE  }
0xaf: {  	s6 =	sadd.s32 @p0 $0x11B8D, s6;
	s7 =	sshll.u32 @p0 s5, $0x11  }
0xb0: {  	s6 =	sor.u32 @p0 s7, s6  }
0xb1: {  	[sflag:s6] =	ssyncadd.remote.s32 @p0 $0x1;
	_ =	sdelay $0x1  }
0xb2: {  	s6 =	simm.s32 @p0 $0x1B8D  }
0xb3: {  	_ =	swait.eq @p0 [sflag:s6], $0x1  }
0xb4: {  	[sflag:s6] =	ssyncadd.s32 @p0 $0xFFFFFFFF  }
0xb5: {  	s7 =	sshll.u32 @!p0 s1, $0xE  }
0xb6: {  	s7 =	sor.u32 @!p0 $0x4000, s7;
	s6 =	simm.s32 @!p0 $0x1B8D  }
0xb7: {  	s5 =	sshll.u32 @!p0 s5, $0x11;
	s7 =	sadd.s32 @!p0 $0x11B8D, s7;
	_ =	swait.eq @!p0 [sflag:s6], $0x1  }
0xb8: {  	s5 =	sor.u32 @!p0 s5, s7;
	[sflag:s6] =	ssyncadd.s32 @!p0 $0xFFFFFFFF  }
0xb9: {  	s25 =	simm.s32 $0x1B8E;
	s24 =	sld [smem:$0x3FFE];
	[sflag:s5] =	ssyncadd.remote.s32 @!p0 $0x1  }
0xba: {  	s26 =	simm.s32 $execute0_lowered;
	[smem:$0x3FD2] =	sst s25  }
0xbb: {  	s6 =	sshll.u32 s26, $0x1;
	_ =	strace $0x80000049;
	[dreg:$0x1] =	wrdreg $0xFFFFFFFF  }
0xbc: {  	s28 =	simm.s32 $_size_execute0_lowered;
	s4 =	sadd.s32 s4, s6;
	[dreg:$0x0] =	wrdreg $0x0  }
0xbd: {  	s6 =	sshll.u32 s28, $0x1;
	[dreg:$0x2] =	wrdreg s4  }
0xbe: {  	[dreg:$0x3] =	wrdreg s6  }
0xbf: {  	[dreg:$0x4] =	wrdreg $0xC0  }
0xc0: {  	_ =	task [dreg:s22], $0x5FFFF  }
0xc1: {  	[dreg:$0x1] =	wrdreg $0xFFFFFFFF  }
0xc2: {  	[dreg:$0x0] =	wrdreg $0x60  }
0xc3: {  	[dreg:$0x2] =	wrdreg s24  }
0xc4: {  	[dreg:$0x3] =	wrdreg s17  }
0xc5: {  	[dreg:$0x4] =	wrdreg $0xA  }
0xc6: {  	_ =	task.clear_ibuf [dreg:s22], $0x5FFFF;
	_ =	strace $0x90000049  }
0xc7: {  	s29 =	simm.s32 $0xA;
	_ =	strace $0x8000004B  }
0xc8: {  	_ =	swait.ge [sflag:s29], $0x1  }
0xc9: {  	[sflag:s29] =	ssyncadd.s32 $0xFFFFFFFF  }
0xca: {  	_ =	strace $0x9000004B  }
0xcb: {  	_ =	sfence  }
0xcc: {  	s30 =	sld [smem:$0x0];
	_ =	sdelay $0x2  }
0xcd: {  	s31 =	sshll.u32 s1, $0xD;
	s1 =	sshrl.u32 s1, $0x2  }
0xce: {  	s4 =	sand.u32 $0x4000, s31;
	s1 =	sadd.s32 s1, s30  }
0xcf: {  	s0 =	sor.u32 s4, s0;
	s1 =	sshll.u32 s1, $0x11  }
0xd0: {  	s0 =	sor.u32 s1, s0  }
0xd1: {  	s0 =	sadd.s32 $0x8F2B, s0  }
0xd2: {  	[sflag:s0] =	ssyncadd.remote.s32 $0x1  }
0xd3: {  	_ =	sfence.sel $0xFFFF  }
0xd4: {  	[dreg:$0x0] =	wrdreg $0xFFFFFFFF;
	(pc) =	sbr.abs _section_cstart, $3  }
0xd5: {  	[dreg:$0x1] =	wrdreg $0xFFFFFFFF  }
0xd6: {  	_ =	task.clear_ibuf [dreg:s22], $0x2FFFF;
	_ =	strace $0x9FFFFFFF  }
0xd7: {  	(tm) =	ssettm $0x7FFFFFFF  }
tec
execute0_lowered:
.L_overlay_start_1:
0x0: {  	(tag) =	ssettag $0x1  }
0x1: {  	s7 =	rddreg [dreg:$0x0]  }
0x2: {  	s1 =	rddreg [dreg:$0x1]  }
0x3: {  	s0 =	rddreg [dreg:$0x2];
	s2 =	simm.s32 $0x0  }
0x4: {  	s3 =	srdreg.scid;
	s11 =	simm.s32 $0x80;
	s12 =	simm.s32 $0x50  }
0x5: {  	s13 =	simm.s32 $0x100;
	s14 =	simm.s32 $0x2900;
	s15 =	simm.s32 $0x1  }
0x6: {  	s16 =	simm.s32 $0x2;
	s17 =	simm.s32 $0x0;
	[smem:$0x7FF] =	sst s2  }
0x7: {  	s4 =	sadd.s32 $0xD600, s7;
	s5 =	sadd.s32 $0x3800, s7;
	s6 =	sand.u32 $0x1, s3  }
0x8: {  	s3 =	stileid.u32;
	_ =	strace $0x8000004A;
	s8 =	ssub.s32 $0x2, s6  }
0x9: {  	s9 =	sshll.u32 s6, $0x4;
	s6 =	sadd.s32 $0x3FA00, s7;
	s10 =	sshrl.u32 s8, $0x1  }
0xa: {  	s7 =	sadd.s32 $0x66C00, s7;
	s9 =	sor.u32 s3, s9;
	s10 =	ssub.s32 s8, s10  }
0xb: {  	s8 =	smul.u32 $0x2710, s9;
	s9 =	smax.u32 s10, $0x1;
	s10 =	simm.s32 $0x3  }
.LBB2_1:
0xc: {  	s18 =	simm.s32 $0x0  }
.LBB2_2:
0xd: {  	s19 =	smul.u32 $0x50, s18;
	_ =	sdelay $0x1  }
0xe: {  	s19 =	sadd.s32 s8, s19  }
0xf: {  	s20 =	sshrl.u32 s19, $0x3  }
0x10: {  	s22 =	simm.s32 $0x0;
	s21 =	sadd.s32 s4, s20  }
0x11: {  	[tilespmem:s22], [sflag:$0x3] =	stream.linear.gather [hbm4b:s21+s22], $0x50, $0x38;
	[tilespmem:$0x5100] =	vst v63  }
0x12: {  	_ =	swait.ge [sflag:s10], $0x50  }
0x13: {  	[sflag:s10] =	ssyncset.done $0x0  }
0x14: {  	s20 =	sadd.s32 s5, s20;
	[sflag:s10] =	ssyncadd.s32 $0xFFFFFFB0  }
0x15: {  	[tilespmem:s11], [sflag:$0x3] =	stream.linear.gather [hbm4b:s20+s22], $0x50, $0x38;
	[tilespmem:$0x5100] =	vst v63  }
0x16: {  	_ =	swait.ge [sflag:s10], $0x50  }
0x17: {  	[sflag:s10] =	ssyncset.done $0x0  }
0x18: {  	[sflag:s10] =	ssyncadd.s32 $0xFFFFFFB0  }
0x19: {  	[tilespmem:s13], [sflag:$0x1] =	stream.indirect.gather [hbm4b:s1+s12], $0x80, s22, s12, $0xb8;
	[tilespmem:$0x5100] =	vst v63  }
0x1a: {  	_ = 	snop  }
0x1b: {  	[tilespmem:s14], [sflag:$0x2] =	stream.indirect.gather [hbm4b:s6+s12], $0x80, s11, s12, $0xb8;
	[tilespmem:$0x5100] =	vst v63  }
0x1c: {  	_ =	swait.ge [sflag:s15], $0x2800  }
0x1d: {  	[sflag:s15] =	ssyncset.done $0x0  }
0x1e: {  	[sflag:s15] =	ssyncadd.s32 $0xFFFFD800  }
0x1f: {  	_ =	swait.ge [sflag:s16], $0x2800  }
0x20: {  	[sflag:s16] =	ssyncset.done $0x0  }
0x21: {  	s20 =	simm.s32 $0x0;
	[sflag:s16] =	ssyncadd.s32 $0xFFFFD800  }
0x22: {  	v7 =	vld [tilespmem:s20+$0x2900]  }
0x23: {  	v11 =	vld [tilespmem:s20+$0x2910]  }
0x24: {  	v5 =	vld [tilespmem:s20+$0x2920]  }
0x25: {  	v4 =	vld [tilespmem:s20+$0x2930]  }
0x26: {  	v3 =	vld [tilespmem:s20+$0x2940]  }
0x27: {  	v2 =	vld [tilespmem:s20+$0x2950]  }
0x28: {  	v1 =	vld [tilespmem:s20+$0x2960]  }
0x29: {  	v0 =	vld [tilespmem:s20+$0x2970]  }
0x2a: {  	v12 =	vld [tilespmem:s20+$0x100]  }
0x2b: {  	v13 =	vld [tilespmem:s20+$0x110]  }
0x2c: {  	v10 =	vld [tilespmem:s20+$0x120]  }
0x2d: {  	v9 =	vld [tilespmem:s20+$0x130]  }
0x2e: {  	v8 =	vld [tilespmem:s20+$0x140]  }
0x2f: {  	v6 =	vld [tilespmem:s20+$0x150];
	v12 =	vadd.f32 v7, v12  }
0x30: {  	s21 =	simm.s32 $0x200;
	v11 =	vadd.f32 v11, v13;
	v7 =	vld [tilespmem:s20+$0x160]  }
.LBB2_3:
0x31: {  	s22 =	sshra.s32 s21, $0x2;
	p0 =	sne.s32 s21, $0x9E00;
	[tilespmem:s20+$0x100] =	vst v12;
	v5 =	vadd.f32 v5, v10;
	v10 =	vld [tilespmem:s20+$0x170]  }
0x32: {  	v12 =	vld [tilespmem:s22+$0x2900];
	[tilespmem:s20+$0x110] =	vst v11;
	v4 =	vadd.f32 v4, v9  }
0x33: {  	v11 =	vld [tilespmem:s22+$0x2910];
	[tilespmem:s20+$0x120] =	vst v5;
	v3 =	vadd.f32 v3, v8  }
0x34: {  	v5 =	vld [tilespmem:s22+$0x2920];
	[tilespmem:s20+$0x130] =	vst v4;
	v2 =	vadd.f32 v2, v6  }
0x35: {  	v4 =	vld [tilespmem:s22+$0x2930];
	[tilespmem:s20+$0x140] =	vst v3;
	v1 =	vadd.f32 v1, v7  }
0x36: {  	v3 =	vld [tilespmem:s22+$0x2940];
	[tilespmem:s20+$0x150] =	vst v2;
	v0 =	vadd.f32 v0, v10  }
0x37: {  	v2 =	vld [tilespmem:s22+$0x2950];
	[tilespmem:s20+$0x160] =	vst v1  }
0x38: {  	v1 =	vld [tilespmem:s22+$0x2960];
	[tilespmem:s20+$0x170] =	vst v0;
	s20 =	smov.u32 s22  }
0x39: {  	v0 =	vld [tilespmem:s20+$0x2970]  }
0x3a: {  	v6 =	vld [tilespmem:s20+$0x100]  }
0x3b: {  	v7 =	vld [tilespmem:s20+$0x110]  }
.Ltmp0:
0x3c: {  	v10 =	vld [tilespmem:s20+$0x120];
	(pc) =	sbr.rel @p0 .LBB2_3-.Ltmp0, $4  }
0x3d: {  	v9 =	vld [tilespmem:s20+$0x130]  }
0x3e: {  	v8 =	vld [tilespmem:s20+$0x140]  }
0x3f: {  	v12 =	vadd.f32 v12, v6;
	v6 =	vld [tilespmem:s20+$0x150]  }
0x40: {  	s21 =	sadd.s32 $0x200, s21;
	v11 =	vadd.f32 v11, v7;
	v7 =	vld [tilespmem:s20+$0x160]  }
0x41: {  	[tilespmem:s20+$0x100] =	vst v12;
	v5 =	vadd.f32 v5, v10;
	v63 =	vld [tilespmem:s20+$0x170]  }
0x42: {  	[tilespmem:s20+$0x110] =	vst v11;
	v4 =	vadd.f32 v4, v9  }
0x43: {  	[tilespmem:s20+$0x120] =	vst v5;
	v3 =	vadd.f32 v3, v8  }
0x44: {  	[tilespmem:s20+$0x130] =	vst v4;
	v2 =	vadd.f32 v2, v6  }
0x45: {  	[tilespmem:s20+$0x140] =	vst v3;
	v1 =	vadd.f32 v1, v7  }
0x46: {  	s18 =	sadd.s32 $0x1, s18;
	[tilespmem:s20+$0x150] =	vst v2;
	v0 =	vadd.f32 v0, v63  }
0x47: {  	s19 =	sshll.u32 s19, $0x4;
	p0 =	sne.s32 s18, $0x7D;
	[tilespmem:s20+$0x160] =	vst v1  }
.Ltmp1:
0x48: {  	s19 =	sadd.s32 s7, s19;
	[tilespmem:s20+$0x170] =	vst v0;
	(pc) =	sbr.rel @p0 .LBB2_2-.Ltmp1, $4  }
0x49: {  	[hbm4b:s19+s2] =	stream.linear.scatter [tilespmem:s13], [sflag:$0x3], $0x2800, $0x38;
	[tilespmem:$0x5100] =	vst v63  }
0x4a: {  	_ =	swait.ge [sflag:s10], $0x2800  }
0x4b: {  	[sflag:s10] =	ssyncset.done $0x0  }
0x4c: {  	[sflag:s10] =	ssyncadd.s32 $0xFFFFD800  }
0x4d: {  	s17 =	sadd.s32 $0x1, s17  }
0x4e: {  	p0 =	sne.s32 s17, s9  }
.Ltmp2:
0x4f: {  	_ = 	snop;
	(pc) =	sbr.rel @p0 .LBB2_1-.Ltmp2, $1  }
0x50: {  	_ =	sdelay $0x3  }
0x51: {  	_ =	sfence.sel $0x180000  }
0x52: {  	[bflag:$0x0] =	sbarrier.arrive $0xFFFF  }
0x53: {  	p0 =	sne.s32 s3, $0x0;
	_ =	strace $0x9000004A  }
0x54: {  	s0 =	sadd.s32 @!p0 $0x100000, s0;
	[bflag:$0x2] =	sbarrier.arrive $0xFFFF  }
0x55: {  	[sflag:s0] =	ssyncadd.tile.s32 @!p0 $0x1;
	_ =	shalt  }
.Lfunc_end2:
_tile_overlayer_lowered:
.L_overlay_start_2:
0x56: {  	(tag) =	ssettag $0x2  }
0x57: {  	s0 =	rddreg [dreg:$0x0];
	s2 =	stileid.u32  }
0x58: {  	s1 =	rddreg [dreg:$0x1];
	p0 =	sne.s32 s2, $0x0  }
0x59: {  	s3 =	rddreg [dreg:$0x2];
	[bflag:$0x3] =	sbarrier.arrive $0xFFFF;
	s2 =	simm.s32 @!p0 $0x1C03  }
0x5a: {  	[timem:s3], [sflag:s2] =	dma.local @!p0 [hbm:s0], s1  }
0x5b: {  	s0 =	simm.s32 @!p0 $0x3  }
0x5c: {  	_ =	swait.ge @!p0 [sflag:s0], s1  }
0x5d: {  	s1 =	ssub.s32 @!p0 $0x0, s1;
	[sflag:s0] =	ssyncset.done @!p0 $0x0  }
0x5e: {  	[sflag:s0] =	ssyncadd.s32 @!p0 s1  }
0x5f: {  	[bflag:$0x3] =	sbarrier.arrive $0xFFFF  }
0x60: {  	_ =	shalt  }

// kernel: kernel.21.cloned.1.call-start
scs
__scs_entry_jumppad:
0x0: {  	(pc) =	sbr.rel $0x88, $3  }
0x1: {  	(tag) =	ssettag $0x0;
	lr =	simm.s32 $0x1  }
0x2: {  	[smem:$0x3F96] =	sst lr;
	_ =	strace $0xD0000000  }
0x3: {  	_ = 	snop  }
0x4: {  	_ = 	snop  }
0x5: {  	_ = 	snop  }
0x6: {  	_ = 	snop  }
0x7: {  	_ = 	snop  }
__scs_overlays_trampoline_lowered:
0x8: {  	[smem:$0x3FA5] =	sst s0  }
0x9: {  	[smem:$0x3FA6] =	sst s1  }
0xa: {  	[smem:$0x3FA7] =	sst s2  }
0xb: {  	[smem:$0x3FA8] =	sst s3  }
0xc: {  	[smem:$0x3FA9] =	sst s4  }
0xd: {  	[smem:$0x3FAA] =	sst s5  }
0xe: {  	[smem:$0x3FAB] =	sst s6  }
0xf: {  	[smem:$0x3FAC] =	sst s7  }
0x10: {  	[smem:$0x3FAD] =	sst s8  }
0x11: {  	[smem:$0x3FAE] =	sst s9;
	s0 =	simm.s32 @!p0 $0x0  }
0x12: {  	s1 =	sld [smem:$0x3F94];
	s0 =	simm.s32 @p0 $0x1  }
0x13: {  	[smem:$0x3FAF] =	sst s0;
	s0 =	simm.s32 @!p1 $0x0  }
0x14: {  	s2 =	sld [smem:$0x3F93];
	s0 =	simm.s32 @p1 $0x1  }
0x15: {  	[smem:$0x3FB0] =	sst s0;
	s0 =	simm.s32 @!p2 $0x0  }
0x16: {  	s3 =	sld [smem:$0x3FDB];
	s0 =	simm.s32 @p2 $0x1  }
0x17: {  	s4 =	simm.s32 $0x1BF5;
	[smem:$0x3FB2] =	sst s0  }
0x18: {  	s0 =	sld [smem:$0x3F95];
	_ =	swait.ge [sflag:s4], $0x0  }
0x19: {  	s7 =	sld [smem:$0x3F96]  }
0x1a: {  	s8 =	sadd.s32 $0xFFFFE003, lr  }
0x1b: {  	s9 =	sadd.s32 $0xFFFFFEF7, lr;
	s5 =	simm.s32 $0xFFFFFFFF;
	p2 =	slt.u32 s8, $0xFFFFF086  }
0x1c: {  	p1 =	slt.u32 s9, $0xF7A;
	s5 =	simm.s32 @!p2 $0x0  }
0x1d: {  	s5 =	simm.s32 @p1 $0x1;
	p0 =	seq.s32 s7, s2  }
0x1e: {  	s7 =	smul.u32 @!p0 $0xF7A, s2;
	p2 =	seq.s32 @!p0 s5, $0x0  }
0x1f: {  	s9 =	smul.u32 $0xF7A, s1;
	s8 =	simm.s32 @!p0 $0x1BF5;
	p2 =	por !p2, p0  }
0x20: {  	[sflag:s8] =	ssyncset.s32 @!p0 $0xFFFFF086;
	s6 =	sadd.s32 @!p0 s3, s7;
	s7 =	simm.s32 @!p0 $0x108  }
0x21: {  	s3 =	sadd.s32 s3, s9;
	s6 =	sadd.s32 @!p0 $0x88, s6;
	s7 =	simm.s32 @p2 $0x1082  }
0x22: {  	[simem:s7], [sflag:s8] =	dma.local @!p0 [hbm:s6], $0xF7A  }
0x23: {  	s9 =	sor.u32 $0xD0000000, s2;
	s6 =	simm.s32 $0x108;
	_ =	swait.ge @!p0 [sflag:s8], $0x0  }
0x24: {  	s3 =	sadd.s32 $0x88, s3;
	s6 =	simm.s32 @!p1 $0x1082;
	[sflag:s4] =	ssyncset.s32 $0xFFFFF086  }
0x25: {  	[simem:s6], [sflag:s4] =	dma.local [hbm:s3], $0xF7A  }
0x26: {  	[smem:$0x3F96] =	sst s1;
	(tag) =	ssettag s2;
	_ =	strace s9  }
0x27: {  	s1 =	sld [smem:$0x3FA6]  }
0x28: {  	s2 =	sld [smem:$0x3FA7]  }
0x29: {  	s4 =	sld [smem:$0x3FA9]  }
0x2a: {  	p0 =	seq.s32 s5, $0x0;
	s5 =	sld [smem:$0x3FAA]  }
0x2b: {  	s6 =	sld [smem:$0x3FAB]  }
0x2c: {  	s7 =	sld [smem:$0x3FAC]  }
0x2d: {  	s3 =	simm.s32 $0x108;
	s8 =	sld [smem:$0x3FAD]  }
0x2e: {  	s3 =	simm.s32 @!p0 $0x1082;
	s9 =	sld [smem:$0x3FAE]  }
0x2f: {  	lr =	sadd.s32 s0, s3;
	s0 =	sld [smem:$0x3FA5]  }
0x30: {  	s3 =	sld [smem:$0x3FA8]  }
0x31: {  	[smem:$0x3FB1] =	sst s10  }
0x32: {  	s10 =	sld [smem:$0x3FAF];
	_ =	sdelay $0x3  }
0x33: {  	p0 =	seq.s32 s10, $0x1;
	s10 =	sld [smem:$0x3FB1];
	_ =	sdelay $0x3  }
0x34: {  	[smem:$0x3FB1] =	sst s10  }
0x35: {  	s10 =	sld [smem:$0x3FB0];
	_ =	sdelay $0x3  }
0x36: {  	p1 =	seq.s32 s10, $0x1;
	s10 =	sld [smem:$0x3FB1];
	_ =	sdelay $0x3  }
0x37: {  	[smem:$0x3FB1] =	sst s10  }
0x38: {  	s10 =	sld [smem:$0x3FB2]  }
0x39: {  	_ = 	snop;
	(pc) =	sbr.ind lr, $3  }
0x3a: {  	_ = 	snop  }
0x3b: {  	_ = 	snop  }
0x3c: {  	p2 =	seq.s32 s10, $0x1;
	s10 =	sld [smem:$0x3FB1]  }
0x3d: {  	_ =	shalt  }
0x3e: {  	_ =	shalt  }
0x3f: {  	_ =	shalt  }
0x40: {  	_ =	shalt  }
0x41: {  	_ =	shalt  }
0x42: {  	_ =	shalt  }
0x43: {  	_ =	shalt  }
0x44: {  	_ =	shalt  }
0x45: {  	_ =	shalt  }
0x46: {  	_ =	shalt  }
0x47: {  	_ =	shalt  }
0x48: {  	_ =	shalt  }
0x49: {  	_ =	shalt  }
0x4a: {  	_ =	shalt  }
0x4b: {  	_ =	shalt  }
0x4c: {  	_ =	shalt  }
0x4d: {  	_ =	shalt  }
0x4e: {  	_ =	shalt  }
0x4f: {  	_ =	shalt  }
0x50: {  	_ =	shalt  }
0x51: {  	_ =	shalt  }
0x52: {  	_ =	shalt  }
0x53: {  	_ =	shalt  }
0x54: {  	_ =	shalt  }
0x55: {  	_ =	shalt  }
0x56: {  	_ =	shalt  }
0x57: {  	_ =	shalt  }
0x58: {  	_ =	shalt  }
0x59: {  	_ =	shalt  }
0x5a: {  	_ =	shalt  }
0x5b: {  	_ =	shalt  }
0x5c: {  	_ =	shalt  }
0x5d: {  	_ =	shalt  }
0x5e: {  	_ =	shalt  }
0x5f: {  	_ =	shalt  }
0x60: {  	_ =	shalt  }
0x61: {  	_ =	shalt  }
0x62: {  	_ =	shalt  }
0x63: {  	_ =	shalt  }
0x64: {  	_ =	shalt  }
0x65: {  	_ =	shalt  }
0x66: {  	_ =	shalt  }
0x67: {  	_ =	shalt  }
0x68: {  	_ =	shalt  }
0x69: {  	_ =	shalt  }
0x6a: {  	_ =	shalt  }
0x6b: {  	_ =	shalt  }
0x6c: {  	_ =	shalt  }
0x6d: {  	_ =	shalt  }
0x6e: {  	_ =	shalt  }
0x6f: {  	_ =	shalt  }
0x70: {  	_ =	shalt  }
0x71: {  	_ =	shalt  }
0x72: {  	_ =	shalt  }
0x73: {  	_ =	shalt  }
0x74: {  	_ =	shalt  }
0x75: {  	_ =	shalt  }
0x76: {  	_ =	shalt  }
0x77: {  	_ =	shalt  }
0x78: {  	_ =	shalt  }
0x79: {  	_ =	shalt  }
0x7a: {  	_ =	shalt  }
0x7b: {  	_ =	shalt  }
0x7c: {  	_ =	shalt  }
0x7d: {  	_ =	shalt  }
0x7e: {  	_ =	shalt  }
0x7f: {  	_ =	shalt  }
0x80: {  	_ =	shalt  }
0x81: {  	_ =	shalt  }
0x82: {  	_ =	shalt  }
0x83: {  	_ =	shalt  }
0x84: {  	_ =	shalt  }
0x85: {  	_ =	shalt  }
0x86: {  	_ =	shalt  }
0x87: {  	_ =	shalt  }
.Lfunc_end0:
.L_simem_size_0:
called_computation.2_lowered:
.L_overlay_start_0:
0x88: {  	s2 =	sld [smem:$0x3FD9]  }
0x89: {  	s3 =	sld [smem:$0x3FFE];
	_ =	sdelay $0x1  }
0x8a: {  	s1 =	srdreg.scid  }
0x8b: {  	s0 =	sand.u32 $0x1, s1  }
0x8c: {  	s14 =	sshll.u32 s0, $0xA;
	s2 =	sadd.s32 s3, s2  }
0x8d: {  	s2 =	sadd.s32 s2, s14  }
0x8e: {  	[smem:$0x3FBD] =	sst s2  }
0x8f: {  	_ = 	snop  }
0x90: {  	s2 =	sld [smem:$0x3FD0];
	_ =	sdelay $0x2  }
0x91: {  	s15 =	simm.s32 $0xB;
	s4 =	simm.s32 $0x10  }
0x92: {  	[smem:s4], [sflag:s15] =	dma.local [hbm:s2], $0x1  }
0x93: {  	_ =	swait.eq [sflag:s15], $0x1  }
0x94: {  	[sflag:s15] =	ssyncset.done $0x0  }
0x95: {  	s16 =	sld [smem:$0x10];
	[sflag:s15] =	ssyncadd.s32 $0xFFFFFFFF  }
0x96: {  	s17 =	sld [smem:$0x11];
	(tm) =	ssettm $0x1  }
0x97: {  	s18 =	sld [smem:$0x3FFB];
	_ =	sdelay $0x3  }
0x98: {  	_ =	strace s18  }
0x99: {  	s4 =	sld [smem:$0x3FFC];
	_ =	sdelay $0x3  }
0x9a: {  	_ =	strace s4  }
0x9b: {  	s4 =	sld [smem:$0x3FFD];
	_ =	sdelay $0x3  }
0x9c: {  	_ =	strace s4  }
0x9d: {  	_ =	strace $0x8FFFFFFF  }
0x9e: {  	s19 =	sld [smem:$0x3FDB];
	_ =	sdelay $0x1  }
0x9f: {  	s5 =	simm.s32 $_scs_section_size  }
0xa0: {  	s6 =	simm.s32 $_size__tile_overlayer_lowered;
	s7 =	simm.s32 $_tile_overlayer_lowered  }
0xa1: {  	s22 =	simm.s32 $0x1BFF;
	s21 =	sshll.u32 s7, $0x1;
	s4 =	sadd.s32 s5, s19  }
0xa2: {  	s8 =	simm.s32 $0x0;
	s20 =	sshll.u32 s6, $0x1;
	s6 =	sadd.s32 s21, s4  }
0xa3: {  	[timem:s8], [sflag:s22] =	dma.local [hbm:s6], s20  }
0xa4: {  	_ =	swait.ge [sflag:s22], s20  }
0xa5: {  	s5 =	ssub.s32 $0x0, s20;
	[sflag:s22] =	ssyncset.done $0x0  }
0xa6: {  	[sflag:s22] =	ssyncadd.s32 s5;
	_ =	sdelay $0x1  }
0xa7: {  	s23 =	simm.s32 $0x1B8B  }
0xa8: {  	_ =	swait.ge [sflag:s23], $0x1  }
0xa9: {  	[sflag:s23] =	ssyncset.done $0x0  }
0xaa: {  	s25 =	simm.s32 $0x1B8E;
	s24 =	sld [smem:$0x3FFE];
	[sflag:s23] =	ssyncadd.s32 $0xFFFFFFFF  }
0xab: {  	s26 =	simm.s32 $execute0_lowered;
	[smem:$0x3FD2] =	sst s25  }
0xac: {  	s6 =	sshll.u32 s26, $0x1;
	_ =	strace $0x8000004C;
	[dreg:$0x1] =	wrdreg $0xFFFFFFFF  }
0xad: {  	s28 =	simm.s32 $_size_execute0_lowered;
	s4 =	sadd.s32 s4, s6;
	[dreg:$0x0] =	wrdreg $0x0  }
0xae: {  	s6 =	sshll.u32 s28, $0x1;
	[dreg:$0x2] =	wrdreg s4  }
0xaf: {  	[dreg:$0x3] =	wrdreg s6  }
0xb0: {  	[dreg:$0x4] =	wrdreg $0xC0  }
0xb1: {  	_ =	task [dreg:s8], $0x5FFFF  }
0xb2: {  	[dreg:$0x1] =	wrdreg $0xFFFFFFFF  }
0xb3: {  	[dreg:$0x0] =	wrdreg $0x60  }
0xb4: {  	[dreg:$0x2] =	wrdreg s24  }
0xb5: {  	[dreg:$0x3] =	wrdreg s16  }
0xb6: {  	[dreg:$0x4] =	wrdreg s17  }
0xb7: {  	[dreg:$0x5] =	wrdreg $0x29000  }
0xb8: {  	[dreg:$0x6] =	wrdreg $0x9  }
0xb9: {  	_ =	task.clear_ibuf [dreg:s8], $0x7FFFF;
	_ =	strace $0x9000004C  }
0xba: {  	s29 =	simm.s32 $0x9;
	_ =	strace $0x8000004E  }
0xbb: {  	_ =	swait.ge [sflag:s29], $0x1  }
0xbc: {  	[sflag:s29] =	ssyncadd.s32 $0xFFFFFFFF  }
0xbd: {  	_ =	strace $0x9000004E  }
0xbe: {  	_ =	sfence  }
0xbf: {  	s30 =	sld [smem:$0x0];
	_ =	sdelay $0x2  }
0xc0: {  	s31 =	sshll.u32 s1, $0xD;
	s1 =	sshrl.u32 s1, $0x2  }
0xc1: {  	s3 =	sand.u32 $0x4000, s31;
	s1 =	sadd.s32 s1, s30  }
0xc2: {  	s0 =	sor.u32 s3, s0;
	s1 =	sshll.u32 s1, $0x11  }
0xc3: {  	s0 =	sor.u32 s1, s0  }
0xc4: {  	s0 =	sadd.s32 $0x8F2B, s0  }
0xc5: {  	[sflag:s0] =	ssyncadd.remote.s32 $0x1  }
0xc6: {  	_ =	sfence.sel $0xFFFF  }
0xc7: {  	[dreg:$0x0] =	wrdreg $0xFFFFFFFF;
	(pc) =	sbr.abs _section_cstart, $3  }
0xc8: {  	[dreg:$0x1] =	wrdreg $0xFFFFFFFF  }
0xc9: {  	_ =	task.clear_ibuf [dreg:s8], $0x2FFFF;
	_ =	strace $0x9FFFFFFF  }
0xca: {  	(tm) =	ssettm $0x7FFFFFFF  }
0xcb: {  	_ =	shalt  }
tec
execute0_lowered:
.L_overlay_start_1:
0x0: {  	(tag) =	ssettag $0x1  }
0x1: {  	s5 =	rddreg [dreg:$0x0]  }
0x2: {  	s1 =	rddreg [dreg:$0x1]  }
0x3: {  	s8 =	rddreg [dreg:$0x2]  }
0x4: {  	s3 =	rddreg [dreg:$0x3]  }
0x5: {  	s0 =	srdreg.scid;
	s2 =	rddreg [dreg:$0x4]  }
0x6: {  	s4 =	simm.s32 $0x0;
	s13 =	simm.s32 $0x80;
	s6 =	sand.u32 $0x1, s0  }
0x7: {  	s14 =	simm.s32 $0x50;
	s0 =	stileid.u32;
	s7 =	smul.u32 $0x27100, s6  }
0x8: {  	s15 =	simm.s32 $0x100;
	s16 =	simm.s32 $0x1;
	s9 =	smul.u32 $0x2710, s0  }
0x9: {  	s17 =	simm.s32 $0x0;
	[smem:$0x7FF] =	sst s4;
	s26 =	smul.u32 $0x14000, s0  }
0xa: {  	_ =	strace $0x8000004D;
	s12 =	ssub.s32 $0x2, s6;
	s6 =	smul.u32 $0x140000, s6  }
0xb: {  	s28 =	smul.u32 $0x50000, s0;
	s31 =	sshll.u32 s0, $0x6;
	s29 =	sshrl.u32 s12, $0x1  }
0xc: {  	s7 =	sadd.s32 s9, s7;
	s11 =	sshrl.u32 s26, $0x3;
	s6 =	sadd.s32 s26, s6  }
0xd: {  	s7 =	sshrl.u32 s7, $0x3;
	s9 =	sshrl.u32 s6, $0x3;
	s6 =	sor.u32 $0x1C02, s31  }
0xe: {  	s10 =	sadd.s32 s7, s5;
	s5 =	sadd.s32 s11, s5;
	s7 =	sshrl.u32 s28, $0x2  }
0xf: {  	s11 =	ssub.s32 s12, s29;
	s12 =	simm.s32 $0x2;
	s30 =	sadd.s32 s7, s3  }
0x10: {  	s5 =	sadd.s32 $0x17A00, s5;
	s7 =	sadd.s32 s8, s9;
	s8 =	smax.u32 s11, $0x1  }
0x11: {  	s9 =	sadd.s32 $0x3800, s10;
	s10 =	sadd.s32 $0xD600, s10;
	s11 =	sshrl.u32 s30, $0x3  }
.LBB2_1:
0x12: {  	[spmem:s11], [sflag:s6] =	dma.local [hbm:s5], $0x2800  }
0x13: {  	_ =	swait.ge [sflag:s12], $0x2800  }
0x14: {  	[sflag:s12] =	ssyncset.done $0x0  }
0x15: {  	[sflag:s12] =	ssyncadd.s32 $0xFFFFD800  }
0x16: {  	s18 =	sadd.s32 $0x0, s10;
	[bflag:$0x0] =	sbarrier.arrive $0xFFFF  }
0x17: {  	[tilespmem:s4], [sflag:$0x2] =	stream.linear.gather [hbm4b:s18+s4], $0x50, $0x38;
	[tilespmem:$0x16900] =	vst v63  }
0x18: {  	_ =	swait.ge [sflag:s12], $0x50  }
0x19: {  	[sflag:s12] =	ssyncset.done $0x0  }
0x1a: {  	s31 =	sadd.s32 $0x0, s9;
	[sflag:s12] =	ssyncadd.s32 $0xFFFFFFB0  }
0x1b: {  	[tilespmem:s13], [sflag:$0x2] =	stream.linear.gather [hbm4b:s31+s4], $0x50, $0x38;
	[tilespmem:$0x16900] =	vst v63  }
0x1c: {  	_ =	swait.ge [sflag:s12], $0x50  }
0x1d: {  	[sflag:s12] =	ssyncset.done $0x0  }
0x1e: {  	[sflag:s12] =	ssyncadd.s32 $0xFFFFFFB0  }
0x1f: {  	[tilespmem:s15], [sflag:$0x1] =	stream.indirect.gather [hbm4b:s1+s14], $0x80, s4, s14, $0xb8;
	[tilespmem:$0x16900] =	vst v63  }
0x20: {  	_ =	swait.ge [sflag:s16], $0x2800  }
0x21: {  	[sflag:s16] =	ssyncset.done $0x0  }
0x22: {  	[sflag:s16] =	ssyncadd.s32 $0xFFFFD800  }
0x23: {  	[spmem:s3] =	stream.indirect.scatter.add.f32 [tilespmem:s15], [sflag:$0x2], $0x80, s13, s14, $0xb8;
	[tilespmem:$0x16900] =	vst v63  }
0x24: {  	_ =	swait.ge [sflag:s12], $0x2800  }
0x25: {  	s19 =	simm.s32 $0x14;
	s18 =	simm.s32 $0xA;
	[sflag:s12] =	ssyncset.done $0x0  }
.LBB2_2:
0x26: {  	s20 =	sadd.s32 s18, s10  }
0x27: {  	[sflag:s12] =	ssyncadd.s32 $0xFFFFD800;
	s21 =	smov.u32 s19;
	s22 =	sadd.s32 $0xA, s19  }
0x28: {  	[tilespmem:s4], [sflag:$0x2] =	stream.linear.gather [hbm4b:s20+s4], $0x50, $0x38;
	[tilespmem:$0x16900] =	vst v63  }
0x29: {  	p0 =	sne.s32 s19, $0x4D8;
	_ =	swait.ge [sflag:s12], $0x50  }
0x2a: {  	[sflag:s12] =	ssyncset.done $0x0  }
0x2b: {  	s19 =	sadd.s32 s18, s9;
	s18 =	smov.u32 s21;
	[sflag:s12] =	ssyncadd.s32 $0xFFFFFFB0  }
0x2c: {  	[tilespmem:s13], [sflag:$0x2] =	stream.linear.gather [hbm4b:s19+s4], $0x50, $0x38;
	[tilespmem:$0x16900] =	vst v63  }
0x2d: {  	_ =	swait.ge [sflag:s12], $0x50  }
0x2e: {  	[sflag:s12] =	ssyncset.done $0x0  }
0x2f: {  	[sflag:s12] =	ssyncadd.s32 $0xFFFFFFB0  }
0x30: {  	[tilespmem:s15], [sflag:$0x1] =	stream.indirect.gather [hbm4b:s1+s14], $0x80, s4, s14, $0xb8;
	[tilespmem:$0x16900] =	vst v63  }
0x31: {  	_ =	swait.ge [sflag:s16], $0x2800  }
.Ltmp0:
0x32: {  	[sflag:s16] =	ssyncset.done $0x0;
	(pc) =	sbr.rel @p0 .LBB2_2-.Ltmp0, $4  }
0x33: {  	[sflag:s16] =	ssyncadd.s32 $0xFFFFD800  }
0x34: {  	[spmem:s3] =	stream.indirect.scatter.add.f32 [tilespmem:s15], [sflag:$0x2], $0x80, s13, s14, $0xb8;
	[tilespmem:$0x16900] =	vst v63  }
0x35: {  	_ =	swait.ge [sflag:s12], $0x2800  }
0x36: {  	s19 =	smov.u32 s22;
	[sflag:s12] =	ssyncset.done $0x0  }
0x37: {  	s19 =	sadd.s32 s18, s10;
	[sflag:s12] =	ssyncadd.s32 $0xFFFFD800  }
0x38: {  	[tilespmem:s4], [sflag:$0x2] =	stream.linear.gather [hbm4b:s19+s4], $0x50, $0x38;
	[tilespmem:$0x16900] =	vst v63  }
0x39: {  	_ =	swait.ge [sflag:s12], $0x50  }
0x3a: {  	[sflag:s12] =	ssyncset.done $0x0  }
0x3b: {  	s31 =	sadd.s32 s18, s9;
	[sflag:s12] =	ssyncadd.s32 $0xFFFFFFB0  }
0x3c: {  	[tilespmem:s13], [sflag:$0x2] =	stream.linear.gather [hbm4b:s31+s4], $0x50, $0x38;
	[tilespmem:$0x16900] =	vst v63  }
0x3d: {  	_ =	swait.ge [sflag:s12], $0x50  }
0x3e: {  	[sflag:s12] =	ssyncset.done $0x0  }
0x3f: {  	[sflag:s12] =	ssyncadd.s32 $0xFFFFFFB0  }
0x40: {  	[tilespmem:s15], [sflag:$0x1] =	stream.indirect.gather [hbm4b:s1+s14], $0x80, s4, s14, $0xb8;
	[tilespmem:$0x16900] =	vst v63  }
0x41: {  	_ =	swait.ge [sflag:s16], $0x2800  }
0x42: {  	[sflag:s16] =	ssyncset.done $0x0  }
0x43: {  	[sflag:s16] =	ssyncadd.s32 $0xFFFFD800  }
0x44: {  	[spmem:s3] =	stream.indirect.scatter.add.f32 [tilespmem:s15], [sflag:$0x2], $0x80, s13, s14, $0xb8;
	[tilespmem:$0x16900] =	vst v63  }
0x45: {  	_ =	swait.ge [sflag:s12], $0x2800  }
0x46: {  	s17 =	sadd.s32 $0x1, s17;
	[sflag:s12] =	ssyncset.done $0x0  }
0x47: {  	p0 =	sne.s32 s17, s8;
	[sflag:s12] =	ssyncadd.s32 $0xFFFFD800  }
.Ltmp1:
0x48: {  	[bflag:$0x0] =	sbarrier.arrive $0xFFFF;
	(pc) =	sbr.rel @p0 .LBB2_1-.Ltmp1, $4  }
0x49: {  	[hbm:s7], [sflag:s6] =	dma.local [spmem:s11], $0x2800  }
0x4a: {  	_ =	swait.ge [sflag:s12], $0x2800  }
0x4b: {  	[sflag:s12] =	ssyncset.done $0x0  }
0x4c: {  	[sflag:s12] =	ssyncadd.s32 $0xFFFFD800  }
0x4d: {  	_ =	sfence.sel $0x180000  }
0x4e: {  	[bflag:$0x0] =	sbarrier.arrive $0xFFFF  }
0x4f: {  	p0 =	sne.s32 s0, $0x0;
	_ =	strace $0x9000004D  }
0x50: {  	s0 =	sadd.s32 @!p0 $0x100000, s2;
	[bflag:$0x2] =	sbarrier.arrive $0xFFFF  }
0x51: {  	[sflag:s0] =	ssyncadd.tile.s32 @!p0 $0x1;
	_ =	shalt  }
.Lfunc_end2:
_tile_overlayer_lowered:
.L_overlay_start_2:
0x52: {  	(tag) =	ssettag $0x2  }
0x53: {  	s0 =	rddreg [dreg:$0x0];
	s2 =	stileid.u32  }
0x54: {  	s1 =	rddreg [dreg:$0x1];
	p0 =	sne.s32 s2, $0x0  }
0x55: {  	s3 =	rddreg [dreg:$0x2];
	[bflag:$0x3] =	sbarrier.arrive $0xFFFF;
	s2 =	simm.s32 @!p0 $0x1C02  }
0x56: {  	[timem:s3], [sflag:s2] =	dma.local @!p0 [hbm:s0], s1  }
0x57: {  	s0 =	simm.s32 @!p0 $0x2  }
0x58: {  	_ =	swait.ge @!p0 [sflag:s0], s1  }
0x59: {  	s1 =	ssub.s32 @!p0 $0x0, s1;
	[sflag:s0] =	ssyncset.done @!p0 $0x0  }
0x5a: {  	[sflag:s0] =	ssyncadd.s32 @!p0 s1  }
0x5b: {  	[bflag:$0x3] =	sbarrier.arrive $0xFFFF  }
0x5c: {  	_ =	shalt  }

// kernel: kernel.24.cloned.1.call-start
scs
__scs_entry_jumppad:
0x0: {  	(pc) =	sbr.rel $0x88, $3  }
0x1: {  	(tag) =	ssettag $0x0;
	lr =	simm.s32 $0x1  }
0x2: {  	[smem:$0x3F96] =	sst lr;
	_ =	strace $0xD0000000  }
0x3: {  	_ = 	snop  }
0x4: {  	_ = 	snop  }
0x5: {  	_ = 	snop  }
0x6: {  	_ = 	snop  }
0x7: {  	_ = 	snop  }
__scs_overlays_trampoline_lowered:
0x8: {  	[smem:$0x3FA5] =	sst s0  }
0x9: {  	[smem:$0x3FA6] =	sst s1  }
0xa: {  	[smem:$0x3FA7] =	sst s2  }
0xb: {  	[smem:$0x3FA8] =	sst s3  }
0xc: {  	[smem:$0x3FA9] =	sst s4  }
0xd: {  	[smem:$0x3FAA] =	sst s5  }
0xe: {  	[smem:$0x3FAB] =	sst s6  }
0xf: {  	[smem:$0x3FAC] =	sst s7  }
0x10: {  	[smem:$0x3FAD] =	sst s8  }
0x11: {  	[smem:$0x3FAE] =	sst s9;
	s0 =	simm.s32 @!p0 $0x0  }
0x12: {  	s1 =	sld [smem:$0x3F94];
	s0 =	simm.s32 @p0 $0x1  }
0x13: {  	[smem:$0x3FAF] =	sst s0;
	s0 =	simm.s32 @!p1 $0x0  }
0x14: {  	s2 =	sld [smem:$0x3F93];
	s0 =	simm.s32 @p1 $0x1  }
0x15: {  	[smem:$0x3FB0] =	sst s0;
	s0 =	simm.s32 @!p2 $0x0  }
0x16: {  	s3 =	sld [smem:$0x3FDB];
	s0 =	simm.s32 @p2 $0x1  }
0x17: {  	s4 =	simm.s32 $0x1BF5;
	[smem:$0x3FB2] =	sst s0  }
0x18: {  	s0 =	sld [smem:$0x3F95];
	_ =	swait.ge [sflag:s4], $0x0  }
0x19: {  	s7 =	sld [smem:$0x3F96]  }
0x1a: {  	s8 =	sadd.s32 $0xFFFFE003, lr  }
0x1b: {  	s9 =	sadd.s32 $0xFFFFFEF7, lr;
	s5 =	simm.s32 $0xFFFFFFFF;
	p2 =	slt.u32 s8, $0xFFFFF086  }
0x1c: {  	p1 =	slt.u32 s9, $0xF7A;
	s5 =	simm.s32 @!p2 $0x0  }
0x1d: {  	s5 =	simm.s32 @p1 $0x1;
	p0 =	seq.s32 s7, s2  }
0x1e: {  	s7 =	smul.u32 @!p0 $0xF7A, s2;
	p2 =	seq.s32 @!p0 s5, $0x0  }
0x1f: {  	s9 =	smul.u32 $0xF7A, s1;
	s8 =	simm.s32 @!p0 $0x1BF5;
	p2 =	por !p2, p0  }
0x20: {  	[sflag:s8] =	ssyncset.s32 @!p0 $0xFFFFF086;
	s6 =	sadd.s32 @!p0 s3, s7;
	s7 =	simm.s32 @!p0 $0x108  }
0x21: {  	s3 =	sadd.s32 s3, s9;
	s6 =	sadd.s32 @!p0 $0x88, s6;
	s7 =	simm.s32 @p2 $0x1082  }
0x22: {  	[simem:s7], [sflag:s8] =	dma.local @!p0 [hbm:s6], $0xF7A  }
0x23: {  	s9 =	sor.u32 $0xD0000000, s2;
	s6 =	simm.s32 $0x108;
	_ =	swait.ge @!p0 [sflag:s8], $0x0  }
0x24: {  	s3 =	sadd.s32 $0x88, s3;
	s6 =	simm.s32 @!p1 $0x1082;
	[sflag:s4] =	ssyncset.s32 $0xFFFFF086  }
0x25: {  	[simem:s6], [sflag:s4] =	dma.local [hbm:s3], $0xF7A  }
0x26: {  	[smem:$0x3F96] =	sst s1;
	(tag) =	ssettag s2;
	_ =	strace s9  }
0x27: {  	s1 =	sld [smem:$0x3FA6]  }
0x28: {  	s2 =	sld [smem:$0x3FA7]  }
0x29: {  	s4 =	sld [smem:$0x3FA9]  }
0x2a: {  	p0 =	seq.s32 s5, $0x0;
	s5 =	sld [smem:$0x3FAA]  }
0x2b: {  	s6 =	sld [smem:$0x3FAB]  }
0x2c: {  	s7 =	sld [smem:$0x3FAC]  }
0x2d: {  	s3 =	simm.s32 $0x108;
	s8 =	sld [smem:$0x3FAD]  }
0x2e: {  	s3 =	simm.s32 @!p0 $0x1082;
	s9 =	sld [smem:$0x3FAE]  }
0x2f: {  	lr =	sadd.s32 s0, s3;
	s0 =	sld [smem:$0x3FA5]  }
0x30: {  	s3 =	sld [smem:$0x3FA8]  }
0x31: {  	[smem:$0x3FB1] =	sst s10  }
0x32: {  	s10 =	sld [smem:$0x3FAF];
	_ =	sdelay $0x3  }
0x33: {  	p0 =	seq.s32 s10, $0x1;
	s10 =	sld [smem:$0x3FB1];
	_ =	sdelay $0x3  }
0x34: {  	[smem:$0x3FB1] =	sst s10  }
0x35: {  	s10 =	sld [smem:$0x3FB0];
	_ =	sdelay $0x3  }
0x36: {  	p1 =	seq.s32 s10, $0x1;
	s10 =	sld [smem:$0x3FB1];
	_ =	sdelay $0x3  }
0x37: {  	[smem:$0x3FB1] =	sst s10  }
0x38: {  	s10 =	sld [smem:$0x3FB2]  }
0x39: {  	_ = 	snop;
	(pc) =	sbr.ind lr, $3  }
0x3a: {  	_ = 	snop  }
0x3b: {  	_ = 	snop  }
0x3c: {  	p2 =	seq.s32 s10, $0x1;
	s10 =	sld [smem:$0x3FB1]  }
0x3d: {  	_ =	shalt  }
0x3e: {  	_ =	shalt  }
0x3f: {  	_ =	shalt  }
0x40: {  	_ =	shalt  }
0x41: {  	_ =	shalt  }
0x42: {  	_ =	shalt  }
0x43: {  	_ =	shalt  }
0x44: {  	_ =	shalt  }
0x45: {  	_ =	shalt  }
0x46: {  	_ =	shalt  }
0x47: {  	_ =	shalt  }
0x48: {  	_ =	shalt  }
0x49: {  	_ =	shalt  }
0x4a: {  	_ =	shalt  }
0x4b: {  	_ =	shalt  }
0x4c: {  	_ =	shalt  }
0x4d: {  	_ =	shalt  }
0x4e: {  	_ =	shalt  }
0x4f: {  	_ =	shalt  }
0x50: {  	_ =	shalt  }
0x51: {  	_ =	shalt  }
0x52: {  	_ =	shalt  }
0x53: {  	_ =	shalt  }
0x54: {  	_ =	shalt  }
0x55: {  	_ =	shalt  }
0x56: {  	_ =	shalt  }
0x57: {  	_ =	shalt  }
0x58: {  	_ =	shalt  }
0x59: {  	_ =	shalt  }
0x5a: {  	_ =	shalt  }
0x5b: {  	_ =	shalt  }
0x5c: {  	_ =	shalt  }
0x5d: {  	_ =	shalt  }
0x5e: {  	_ =	shalt  }
0x5f: {  	_ =	shalt  }
0x60: {  	_ =	shalt  }
0x61: {  	_ =	shalt  }
0x62: {  	_ =	shalt  }
0x63: {  	_ =	shalt  }
0x64: {  	_ =	shalt  }
0x65: {  	_ =	shalt  }
0x66: {  	_ =	shalt  }
0x67: {  	_ =	shalt  }
0x68: {  	_ =	shalt  }
0x69: {  	_ =	shalt  }
0x6a: {  	_ =	shalt  }
0x6b: {  	_ =	shalt  }
0x6c: {  	_ =	shalt  }
0x6d: {  	_ =	shalt  }
0x6e: {  	_ =	shalt  }
0x6f: {  	_ =	shalt  }
0x70: {  	_ =	shalt  }
0x71: {  	_ =	shalt  }
0x72: {  	_ =	shalt  }
0x73: {  	_ =	shalt  }
0x74: {  	_ =	shalt  }
0x75: {  	_ =	shalt  }
0x76: {  	_ =	shalt  }
0x77: {  	_ =	shalt  }
0x78: {  	_ =	shalt  }
0x79: {  	_ =	shalt  }
0x7a: {  	_ =	shalt  }
0x7b: {  	_ =	shalt  }
0x7c: {  	_ =	shalt  }
0x7d: {  	_ =	shalt  }
0x7e: {  	_ =	shalt  }
0x7f: {  	_ =	shalt  }
0x80: {  	_ =	shalt  }
0x81: {  	_ =	shalt  }
0x82: {  	_ =	shalt  }
0x83: {  	_ =	shalt  }
0x84: {  	_ =	shalt  }
0x85: {  	_ =	shalt  }
0x86: {  	_ =	shalt  }
0x87: {  	_ =	shalt  }
.Lfunc_end0:
.L_simem_size_0:
called_computation.3_lowered:
.L_overlay_start_0:
0x88: {  	s2 =	sld [smem:$0x3FD9]  }
0x89: {  	s3 =	sld [smem:$0x3FFE];
	_ =	sdelay $0x1  }
0x8a: {  	s1 =	srdreg.scid  }
0x8b: {  	s0 =	sand.u32 $0x1, s1  }
0x8c: {  	s16 =	sshll.u32 s0, $0xA;
	s2 =	sadd.s32 s3, s2  }
0x8d: {  	s2 =	sadd.s32 s2, s16  }
0x8e: {  	[smem:$0x3FBD] =	sst s2  }
0x8f: {  	_ = 	snop  }
0x90: {  	(tm) =	ssettm $0x1  }
0x91: {  	s17 =	sld [smem:$0x3FFB];
	_ =	sdelay $0x3  }
0x92: {  	_ =	strace s17  }
0x93: {  	s2 =	sld [smem:$0x3FFC];
	_ =	sdelay $0x3  }
0x94: {  	_ =	strace s2  }
0x95: {  	s2 =	sld [smem:$0x3FFD];
	_ =	sdelay $0x3  }
0x96: {  	_ =	strace s2  }
0x97: {  	_ =	strace $0x8FFFFFFF  }
0x98: {  	s18 =	sld [smem:$0x3FDB];
	_ =	sdelay $0x1  }
0x99: {  	s19 =	simm.s32 $_scs_section_size  }
0x9a: {  	s4 =	simm.s32 $_size__tile_overlayer_lowered;
	s5 =	simm.s32 $_tile_overlayer_lowered  }
0x9b: {  	s22 =	simm.s32 $0x1BFF;
	s21 =	sshll.u32 s5, $0x1;
	s2 =	sadd.s32 s19, s18  }
0x9c: {  	s6 =	simm.s32 $0x0;
	s20 =	sshll.u32 s4, $0x1;
	s4 =	sadd.s32 s21, s2  }
0x9d: {  	[timem:s6], [sflag:s22] =	dma.local [hbm:s4], s20  }
0x9e: {  	_ =	swait.ge [sflag:s22], s20  }
0x9f: {  	s3 =	ssub.s32 $0x0, s20;
	[sflag:s22] =	ssyncset.done $0x0  }
0xa0: {  	[sflag:s22] =	ssyncadd.s32 s3;
	_ =	sdelay $0x1  }
0xa1: {  	s23 =	simm.s32 $0x1B8B  }
0xa2: {  	_ =	swait.ge [sflag:s23], $0x1  }
0xa3: {  	[sflag:s23] =	ssyncset.done $0x0  }
0xa4: {  	s25 =	simm.s32 $0x1B8E;
	s24 =	sld [smem:$0x3FFE];
	[sflag:s23] =	ssyncadd.s32 $0xFFFFFFFF  }
0xa5: {  	s26 =	simm.s32 $execute0_lowered;
	[smem:$0x3FD2] =	sst s25  }
0xa6: {  	s4 =	sshll.u32 s26, $0x1;
	_ =	strace $0x8000004F;
	[dreg:$0x1] =	wrdreg $0xFFFFFFFF  }
0xa7: {  	s28 =	simm.s32 $_size_execute0_lowered;
	s2 =	sadd.s32 s2, s4;
	[dreg:$0x0] =	wrdreg $0x0  }
0xa8: {  	s4 =	sshll.u32 s28, $0x1;
	[dreg:$0x2] =	wrdreg s2  }
0xa9: {  	[dreg:$0x3] =	wrdreg s4  }
0xaa: {  	[dreg:$0x4] =	wrdreg $0xC0  }
0xab: {  	_ =	task [dreg:s6], $0x5FFFF  }
0xac: {  	[dreg:$0x1] =	wrdreg $0xFFFFFFFF  }
0xad: {  	[dreg:$0x0] =	wrdreg $0x60  }
0xae: {  	[dreg:$0x2] =	wrdreg s24  }
0xaf: {  	[dreg:$0x3] =	wrdreg $0x29000  }
0xb0: {  	[dreg:$0x4] =	wrdreg $0x9  }
0xb1: {  	_ =	task.clear_ibuf [dreg:s6], $0x5FFFF;
	_ =	strace $0x9000004F  }
0xb2: {  	s29 =	simm.s32 $0x9;
	_ =	strace $0x80000051  }
0xb3: {  	_ =	swait.ge [sflag:s29], $0x1  }
0xb4: {  	[sflag:s29] =	ssyncadd.s32 $0xFFFFFFFF  }
0xb5: {  	_ =	strace $0x90000051  }
0xb6: {  	_ =	sfence  }
0xb7: {  	s30 =	sld [smem:$0x0];
	_ =	sdelay $0x2  }
0xb8: {  	s31 =	sshll.u32 s1, $0xD;
	s1 =	sshrl.u32 s1, $0x2  }
0xb9: {  	s3 =	sand.u32 $0x4000, s31;
	s1 =	sadd.s32 s1, s30  }
0xba: {  	s0 =	sor.u32 s3, s0;
	s1 =	sshll.u32 s1, $0x11  }
0xbb: {  	s0 =	sor.u32 s1, s0  }
0xbc: {  	s0 =	sadd.s32 $0x8F2B, s0  }
0xbd: {  	[sflag:s0] =	ssyncadd.remote.s32 $0x1  }
0xbe: {  	_ =	sfence.sel $0xFFFF  }
0xbf: {  	[dreg:$0x0] =	wrdreg $0xFFFFFFFF;
	(pc) =	sbr.abs _section_cstart, $3  }
0xc0: {  	[dreg:$0x1] =	wrdreg $0xFFFFFFFF  }
0xc1: {  	_ =	task.clear_ibuf [dreg:s6], $0x2FFFF;
	_ =	strace $0x9FFFFFFF  }
0xc2: {  	(tm) =	ssettm $0x7FFFFFFF  }
0xc3: {  	_ =	shalt  }
tec
execute0_lowered:
.L_overlay_start_1:
0x0: {  	(tag) =	ssettag $0x1  }
0x1: {  	s5 =	rddreg [dreg:$0x0]  }
0x2: {  	s0 =	srdreg.scid;
	s2 =	rddreg [dreg:$0x1]  }
0x3: {  	s1 =	rddreg [dreg:$0x2];
	s3 =	simm.s32 $0x0;
	s6 =	sand.u32 $0x1, s0  }
0x4: {  	s13 =	simm.s32 $0x80;
	s0 =	stileid.u32;
	s4 =	smul.u32 $0x27100, s6  }
0x5: {  	s14 =	simm.s32 $0x50;
	s15 =	simm.s32 $0x100;
	s7 =	smul.u32 $0x2710, s0  }
0x6: {  	s16 =	simm.s32 $0x1;
	[smem:$0x7FF] =	sst s3;
	s28 =	smul.u32 $0x14000, s0  }
0x7: {  	s17 =	simm.s32 $0x0;
	_ =	strace $0x80000050;
	s8 =	smul.u32 $0x140000, s6  }
0x8: {  	s6 =	ssub.s32 $0x2, s6;
	s29 =	smul.u32 $0x50000, s0;
	s31 =	sshll.u32 s0, $0x6  }
0x9: {  	s11 =	sshrl.u32 s6, $0x1;
	s4 =	sadd.s32 s7, s4;
	s9 =	sshrl.u32 s28, $0x3  }
0xa: {  	s7 =	sadd.s32 s28, s8;
	s11 =	ssub.s32 s6, s11;
	s30 =	sshrl.u32 s29, $0x2  }
0xb: {  	s6 =	sor.u32 $0x1C02, s31;
	s4 =	sshrl.u32 s4, $0x3;
	s9 =	sadd.s32 s9, s5  }
0xc: {  	s7 =	sshrl.u32 s7, $0x3;
	s12 =	sadd.s32 s30, s2;
	s8 =	smax.u32 s11, $0x1  }
0xd: {  	s10 =	sadd.s32 s4, s5;
	s4 =	sadd.s32 $0x3FA00, s5;
	s7 =	sadd.s32 s7, s5  }
0xe: {  	s5 =	sadd.s32 $0x17A00, s9;
	s11 =	sshrl.u32 s12, $0x3;
	s12 =	simm.s32 $0x2  }
0xf: {  	s7 =	sadd.s32 $0x548C00, s7;
	s9 =	sadd.s32 $0x3800, s10;
	s10 =	sadd.s32 $0xD600, s10  }
.LBB2_1:
0x10: {  	[spmem:s11], [sflag:s6] =	dma.local [hbm:s5], $0x2800  }
0x11: {  	_ =	swait.ge [sflag:s12], $0x2800  }
0x12: {  	[sflag:s12] =	ssyncset.done $0x0  }
0x13: {  	[sflag:s12] =	ssyncadd.s32 $0xFFFFD800  }
0x14: {  	s18 =	sadd.s32 $0x0, s10;
	[bflag:$0x0] =	sbarrier.arrive $0xFFFF  }
0x15: {  	[tilespmem:s3], [sflag:$0x2] =	stream.linear.gather [hbm4b:s18+s3], $0x50, $0x38;
	[tilespmem:$0x16900] =	vst v63  }
0x16: {  	_ =	swait.ge [sflag:s12], $0x50  }
0x17: {  	[sflag:s12] =	ssyncset.done $0x0  }
0x18: {  	s31 =	sadd.s32 $0x0, s9;
	[sflag:s12] =	ssyncadd.s32 $0xFFFFFFB0  }
0x19: {  	[tilespmem:s13], [sflag:$0x2] =	stream.linear.gather [hbm4b:s31+s3], $0x50, $0x38;
	[tilespmem:$0x16900] =	vst v63  }
0x1a: {  	_ =	swait.ge [sflag:s12], $0x50  }
0x1b: {  	[sflag:s12] =	ssyncset.done $0x0  }
0x1c: {  	[sflag:s12] =	ssyncadd.s32 $0xFFFFFFB0  }
0x1d: {  	[tilespmem:s15], [sflag:$0x1] =	stream.indirect.gather [hbm4b:s4+s14], $0x80, s3, s14, $0xb8;
	[tilespmem:$0x16900] =	vst v63  }
0x1e: {  	_ =	swait.ge [sflag:s16], $0x2800  }
0x1f: {  	[sflag:s16] =	ssyncset.done $0x0  }
0x20: {  	[sflag:s16] =	ssyncadd.s32 $0xFFFFD800  }
0x21: {  	[spmem:s2] =	stream.indirect.scatter.add.f32 [tilespmem:s15], [sflag:$0x2], $0x80, s13, s14, $0xb8;
	[tilespmem:$0x16900] =	vst v63  }
0x22: {  	_ =	swait.ge [sflag:s12], $0x2800  }
0x23: {  	s19 =	simm.s32 $0x14;
	s18 =	simm.s32 $0xA;
	[sflag:s12] =	ssyncset.done $0x0  }
.LBB2_2:
0x24: {  	s20 =	sadd.s32 s18, s10  }
0x25: {  	[sflag:s12] =	ssyncadd.s32 $0xFFFFD800;
	s21 =	smov.u32 s19;
	s22 =	sadd.s32 $0xA, s19  }
0x26: {  	[tilespmem:s3], [sflag:$0x2] =	stream.linear.gather [hbm4b:s20+s3], $0x50, $0x38;
	[tilespmem:$0x16900] =	vst v63  }
0x27: {  	p0 =	sne.s32 s19, $0x4D8;
	_ =	swait.ge [sflag:s12], $0x50  }
0x28: {  	[sflag:s12] =	ssyncset.done $0x0  }
0x29: {  	s19 =	sadd.s32 s18, s9;
	s18 =	smov.u32 s21;
	[sflag:s12] =	ssyncadd.s32 $0xFFFFFFB0  }
0x2a: {  	[tilespmem:s13], [sflag:$0x2] =	stream.linear.gather [hbm4b:s19+s3], $0x50, $0x38;
	[tilespmem:$0x16900] =	vst v63  }
0x2b: {  	_ =	swait.ge [sflag:s12], $0x50  }
0x2c: {  	[sflag:s12] =	ssyncset.done $0x0  }
0x2d: {  	[sflag:s12] =	ssyncadd.s32 $0xFFFFFFB0  }
0x2e: {  	[tilespmem:s15], [sflag:$0x1] =	stream.indirect.gather [hbm4b:s4+s14], $0x80, s3, s14, $0xb8;
	[tilespmem:$0x16900] =	vst v63  }
0x2f: {  	_ =	swait.ge [sflag:s16], $0x2800  }
.Ltmp0:
0x30: {  	[sflag:s16] =	ssyncset.done $0x0;
	(pc) =	sbr.rel @p0 .LBB2_2-.Ltmp0, $4  }
0x31: {  	[sflag:s16] =	ssyncadd.s32 $0xFFFFD800  }
0x32: {  	[spmem:s2] =	stream.indirect.scatter.add.f32 [tilespmem:s15], [sflag:$0x2], $0x80, s13, s14, $0xb8;
	[tilespmem:$0x16900] =	vst v63  }
0x33: {  	_ =	swait.ge [sflag:s12], $0x2800  }
0x34: {  	s19 =	smov.u32 s22;
	[sflag:s12] =	ssyncset.done $0x0  }
0x35: {  	s19 =	sadd.s32 s18, s10;
	[sflag:s12] =	ssyncadd.s32 $0xFFFFD800  }
0x36: {  	[tilespmem:s3], [sflag:$0x2] =	stream.linear.gather [hbm4b:s19+s3], $0x50, $0x38;
	[tilespmem:$0x16900] =	vst v63  }
0x37: {  	_ =	swait.ge [sflag:s12], $0x50  }
0x38: {  	[sflag:s12] =	ssyncset.done $0x0  }
0x39: {  	s31 =	sadd.s32 s18, s9;
	[sflag:s12] =	ssyncadd.s32 $0xFFFFFFB0  }
0x3a: {  	[tilespmem:s13], [sflag:$0x2] =	stream.linear.gather [hbm4b:s31+s3], $0x50, $0x38;
	[tilespmem:$0x16900] =	vst v63  }
0x3b: {  	_ =	swait.ge [sflag:s12], $0x50  }
0x3c: {  	[sflag:s12] =	ssyncset.done $0x0  }
0x3d: {  	[sflag:s12] =	ssyncadd.s32 $0xFFFFFFB0  }
0x3e: {  	[tilespmem:s15], [sflag:$0x1] =	stream.indirect.gather [hbm4b:s4+s14], $0x80, s3, s14, $0xb8;
	[tilespmem:$0x16900] =	vst v63  }
0x3f: {  	_ =	swait.ge [sflag:s16], $0x2800  }
0x40: {  	[sflag:s16] =	ssyncset.done $0x0  }
0x41: {  	[sflag:s16] =	ssyncadd.s32 $0xFFFFD800  }
0x42: {  	[spmem:s2] =	stream.indirect.scatter.add.f32 [tilespmem:s15], [sflag:$0x2], $0x80, s13, s14, $0xb8;
	[tilespmem:$0x16900] =	vst v63  }
0x43: {  	_ =	swait.ge [sflag:s12], $0x2800  }
0x44: {  	s17 =	sadd.s32 $0x1, s17;
	[sflag:s12] =	ssyncset.done $0x0  }
0x45: {  	p0 =	sne.s32 s17, s8;
	[sflag:s12] =	ssyncadd.s32 $0xFFFFD800  }
.Ltmp1:
0x46: {  	[bflag:$0x0] =	sbarrier.arrive $0xFFFF;
	(pc) =	sbr.rel @p0 .LBB2_1-.Ltmp1, $4  }
0x47: {  	[hbm:s7], [sflag:s6] =	dma.local [spmem:s11], $0x2800  }
0x48: {  	_ =	swait.ge [sflag:s12], $0x2800  }
0x49: {  	[sflag:s12] =	ssyncset.done $0x0  }
0x4a: {  	[sflag:s12] =	ssyncadd.s32 $0xFFFFD800  }
0x4b: {  	_ =	sfence.sel $0x180000  }
0x4c: {  	[bflag:$0x0] =	sbarrier.arrive $0xFFFF  }
0x4d: {  	p0 =	sne.s32 s0, $0x0;
	_ =	strace $0x90000050  }
0x4e: {  	s0 =	sadd.s32 @!p0 $0x100000, s1;
	[bflag:$0x2] =	sbarrier.arrive $0xFFFF  }
0x4f: {  	[sflag:s0] =	ssyncadd.tile.s32 @!p0 $0x1;
	_ =	shalt  }
.Lfunc_end2:
_tile_overlayer_lowered:
.L_overlay_start_2:
0x50: {  	(tag) =	ssettag $0x2  }
0x51: {  	s0 =	rddreg [dreg:$0x0];
	s2 =	stileid.u32  }
0x52: {  	s1 =	rddreg [dreg:$0x1];
	p0 =	sne.s32 s2, $0x0  }
0x53: {  	s3 =	rddreg [dreg:$0x2];
	[bflag:$0x3] =	sbarrier.arrive $0xFFFF;
	s2 =	simm.s32 @!p0 $0x1C02  }
0x54: {  	[timem:s3], [sflag:s2] =	dma.local @!p0 [hbm:s0], s1  }
0x55: {  	s0 =	simm.s32 @!p0 $0x2  }
0x56: {  	_ =	swait.ge @!p0 [sflag:s0], s1  }
0x57: {  	s1 =	ssub.s32 @!p0 $0x0, s1;
	[sflag:s0] =	ssyncset.done @!p0 $0x0  }
0x58: {  	[sflag:s0] =	ssyncadd.s32 @!p0 s1  }
0x59: {  	[bflag:$0x3] =	sbarrier.arrive $0xFFFF  }
0x5a: {  	_ =	shalt  }

</sc_bundles>
